<compile_context>
chip_gen: v7x
topology: tpu7x:2x2x1
jax: 0.10.2.dev20260603
libtpu: 0.0.44.dev20260713+nightly
codegen_flags: <defaults>
</compile_context>

<pallas_src>
import functools

import jax
import jax.numpy as jnp
from jax import lax
from jax.experimental import pallas as pl
from jax.experimental.pallas import tpu as pltpu
from jax.experimental.pallas import tpu_sc as plsc

VOCAB_N = 1000
PAD_V = 1024
LANES = 16
CHUNK = 16
NBUF = 5
EG = 128


def _logz_tc(table_padded):

    def body(x_ref, o_ref):
        x = x_ref[...]
        m = jnp.max(x, axis=1)
        s = jnp.sum(jnp.exp(x - m[:, None]), axis=1)
        o_ref[...] = m + jnp.log(s)

    return pl.pallas_call(
        body,
        out_shape=jax.ShapeDtypeStruct((PAD_V,), jnp.float32),
    )(table_padded)


@functools.partial(jax.jit, static_argnums=(4,))
def _sc_gather_loss(idx_flat, comb_flat, table, aux, total_rows):
    info = plsc.get_sparse_core_info()
    nw = info.num_cores * info.num_subcores
    rows_per_w = total_rows // nw
    chunks = rows_per_w // CHUNK
    groups = chunks // NBUF
    ne = rows_per_w // EG
    mesh = plsc.VectorSubcoreMesh(core_axis_name="c", subcore_axis_name="s")

    @functools.partial(
        pl.kernel,
        mesh=mesh,
        compiler_params=pltpu.CompilerParams(use_tc_tiling_on_sc=True),
        out_type=[
            jax.ShapeDtypeStruct((total_rows, PAD_V), jnp.float32),
            jax.ShapeDtypeStruct((nw * LANES,), jnp.float32),
        ],
        scratch_types=[
            pltpu.VMEM((rows_per_w,), jnp.int32),
            pltpu.VMEM((rows_per_w,), jnp.int32),
            pltpu.VMEM((rows_per_w,), jnp.float32),
            pltpu.VMEM((rows_per_w,), jnp.float32),
            [pltpu.VMEM((CHUNK, PAD_V), jnp.float32) for _ in range(NBUF)],
            pltpu.VMEM((LANES,), jnp.float32),
            [pltpu.SemaphoreType.DMA for _ in range(NBUF)],
            [pltpu.SemaphoreType.DMA for _ in range(NBUF)],
            pltpu.SemaphoreType.DMA,
        ],
    )
    def k(idx_hbm, comb_hbm, table_hbm, aux_hbm, out_hbm, part_hbm,
          idx_v, comb_v, lz_v, pk_v, rows, acc_v, gs, ws, esem):
        wid = lax.axis_index("s") * info.num_cores + lax.axis_index("c")
        base = wid * rows_per_w
        pltpu.sync_copy(idx_hbm.at[pl.ds(base, rows_per_w)], idx_v)
        pltpu.sync_copy(comb_hbm.at[pl.ds(base, rows_per_w)], comb_v)

        def fire(e, c):
            s = e * EG
            pltpu.async_copy(
                aux_hbm.at[idx_v.at[pl.ds(s, EG)]], lz_v.at[pl.ds(s, EG)],
                esem)
            pltpu.async_copy(
                aux_hbm.at[comb_v.at[pl.ds(s, EG)]], pk_v.at[pl.ds(s, EG)],
                esem)
            return c

        lax.fori_loop(0, ne, fire, 0)

        def start_gather(g, b):
            pltpu.async_copy(
                table_hbm.at[idx_v.at[pl.ds(g * CHUNK, CHUNK)]], rows[b],
                gs[b])

        def wait_gather(b):
            pltpu.make_async_copy(
                table_hbm.at[idx_v.at[pl.ds(0, CHUNK)]], rows[b], gs[b]
            ).wait()

        def start_write(g, b):
            pltpu.async_copy(
                rows[b], out_hbm.at[pl.ds(base + g * CHUNK, CHUNK)], ws[b])

        def wait_write(b):
            pltpu.make_async_copy(
                rows[b], out_hbm.at[pl.ds(0, CHUNK)], ws[b]).wait()

        D = NBUF - 1
        for b in range(D):
            start_gather(b, b)

        for b in range(NBUF):
            wait_gather(b)
            start_write(b, b)
            nb = (b + D) % NBUF
            if b + D >= NBUF:
                wait_write(nb)
            start_gather(b + D, nb)

        def step(h, c):
            for b in range(NBUF):
                g = h * NBUF + b
                wait_gather(b)
                start_write(g, b)
                nb = (b + D) % NBUF
                wait_write(nb)
                start_gather(g + D, nb)
            return c

        lax.fori_loop(1, groups - 1, step, 0)

        for b in range(NBUF):
            g = (groups - 1) * NBUF + b
            wait_gather(b)
            start_write(g, b)
            if g + D < chunks:
                nb = (b + D) % NBUF
                wait_write(nb)
                start_gather(g + D, nb)
        for b in range(NBUF):
            wait_write(b)

        def drain(e, c):
            s = e * EG
            pltpu.make_async_copy(
                aux_hbm.at[idx_v.at[pl.ds(s, EG)]], lz_v.at[pl.ds(s, EG)],
                esem).wait()
            pltpu.make_async_copy(
                aux_hbm.at[comb_v.at[pl.ds(s, EG)]], pk_v.at[pl.ds(s, EG)],
                esem).wait()
            return c

        lax.fori_loop(0, ne, drain, 0)

        def red(i, acc):
            s = i * LANES
            return acc + (lz_v[pl.ds(s, LANES)] - pk_v[pl.ds(s, LANES)])

        acc = lax.fori_loop(0, rows_per_w // LANES, red,
                            jnp.zeros((LANES,), jnp.float32))
        acc_v[...] = acc
        pltpu.sync_copy(acc_v, part_hbm.at[pl.ds(wid * LANES, LANES)])

    return k(idx_flat, comb_flat, table, aux)


def kernel(idx, target, token_embed):
    B, T = idx.shape
    total = B * T
    idx_flat = idx.reshape(total).astype(jnp.int32)
    tgt_flat = target.reshape(total).astype(jnp.int32)
    comb_flat = PAD_V + idx_flat * VOCAB_N + tgt_flat
    table = token_embed.astype(jnp.float32)
    table_padded = jnp.zeros((PAD_V, VOCAB_N), jnp.float32).at[:VOCAB_N].set(table)
    table_cols = jnp.zeros((VOCAB_N, PAD_V), jnp.float32).at[:, :VOCAB_N].set(table)
    logz = _logz_tc(table_padded)
    aux = jnp.concatenate([logz, table.reshape(VOCAB_N * VOCAB_N)])
    out, part = _sc_gather_loss(idx_flat, comb_flat, table_cols, aux, total)
    loss = jnp.sum(part) / total
    return (out[:, :VOCAB_N], loss)

# --- scband reference (transcript-rebuilt; emitter-appended) ---
"""Pipeline reference for scband-bigram-70076686401636 (READ-ONLY COPY).

The authoritative reference and input builder live on the scoring server;
editing this copy changes nothing except your own understanding.
"""

import jax, jax.numpy as jnp
import numpy as np

VOCAB = 1000

def setup_inputs(seed: int = 0) -> dict:
    key = jax.random.key(seed)
    k1, k2, k3 = jax.random.split(key, 3)
    idx = jax.random.randint(k1, (1024, 200), 0, VOCAB)
    target = jax.random.randint(k2, (1024, 200), 0, VOCAB)
    token_embed = jax.random.normal(k3, (VOCAB, VOCAB), dtype=jnp.float32) * 0.02
    return {"idx": idx, "target": target, "token_embed": token_embed}

def reference(idx, target, token_embed):
    # logits = self.token_embed(idx)
    logits = jnp.take(token_embed, idx, axis=0)  # [B, T, C]
    B, T, C = logits.shape
    logits2d = logits.reshape(B * T, C)
    tgt = target.reshape(B * T)
    # F.cross_entropy(logits, target) with mean reduction
    logz = jax.scipy.special.logsumexp(logits2d, axis=-1)
    picked = jnp.take_along_axis(logits2d, tgt[:, None], axis=1)[:, 0]
    loss = jnp.mean(logz - picked)
    return (logits2d, loss)

if __name__ == "__main__":
    import jax
    _d = setup_inputs()
    print(jax.jit(kernel)(*tuple(_d.values())))

</pallas_src>

<mosaic_0001>
#map = affine_map<(d0, d1) -> (0)>
#map1 = affine_map<(d0, d1) -> (0, 0)>
module attributes {stable_mosaic.version = 14 : i64} {
  func.func @k(%arg0: i32, %arg1: i32, %arg2: memref<204800xi32, #tpu.memory_space<hbm>>, %arg3: memref<204800xi32, #tpu.memory_space<hbm>>, %arg4: memref<1000x1024xf32, #tpu.memory_space<hbm>>, %arg5: memref<1001024xf32, #tpu.memory_space<hbm>>, %arg6: memref<204800x1024xf32, #tpu.memory_space<hbm>>, %arg7: memref<512xf32, #tpu.memory_space<hbm>>, %arg8: memref<6400xi32, #tpu.memory_space<vmem>>, %arg9: memref<6400xi32, #tpu.memory_space<vmem>>, %arg10: memref<6400xf32, #tpu.memory_space<vmem>>, %arg11: memref<6400xf32, #tpu.memory_space<vmem>>, %arg12: memref<16x1024xf32, #tpu.memory_space<vmem>>, %arg13: memref<16x1024xf32, #tpu.memory_space<vmem>>, %arg14: memref<16x1024xf32, #tpu.memory_space<vmem>>, %arg15: memref<16x1024xf32, #tpu.memory_space<vmem>>, %arg16: memref<16x1024xf32, #tpu.memory_space<vmem>>, %arg17: memref<16xf32, #tpu.memory_space<vmem>>, %arg18: memref<!tpu.dma_semaphore, #tpu.memory_space<semaphore_mem>>, %arg19: memref<!tpu.dma_semaphore, #tpu.memory_space<semaphore_mem>>, %arg20: memref<!tpu.dma_semaphore, #tpu.memory_space<semaphore_mem>>, %arg21: memref<!tpu.dma_semaphore, #tpu.memory_space<semaphore_mem>>, %arg22: memref<!tpu.dma_semaphore, #tpu.memory_space<semaphore_mem>>, %arg23: memref<!tpu.dma_semaphore, #tpu.memory_space<semaphore_mem>>, %arg24: memref<!tpu.dma_semaphore, #tpu.memory_space<semaphore_mem>>, %arg25: memref<!tpu.dma_semaphore, #tpu.memory_space<semaphore_mem>>, %arg26: memref<!tpu.dma_semaphore, #tpu.memory_space<semaphore_mem>>, %arg27: memref<!tpu.dma_semaphore, #tpu.memory_space<semaphore_mem>>, %arg28: memref<!tpu.dma_semaphore, #tpu.memory_space<semaphore_mem>>) attributes {dimension_semantics = [#tpu.dimension_semantics<core_parallel>, #tpu.dimension_semantics<subcore_parallel>], iteration_bounds = array<i64: 2, 16>, scalar_prefetch = 0 : i64, scratch_operands = 21 : i64, tpu.core_type = #tpu.core_type<sc_vector_subcore>, window_params = [{transform_indices = #map}, {transform_indices = #map}, {transform_indices = #map1}, {transform_indices = #map}, {transform_indices = #map1}, {transform_indices = #map}]} {
    %mul3A = arith.constant 2 : i32
    %mul3A_0 = arith.muli %arg1, %mul3A : i32
    %add3A = arith.addi %mul3A_0, %arg0 : i32
    %mul3A_1 = arith.constant 6400 : i32
    %mul3A_2 = arith.muli %add3A, %mul3A_1 : i32
    "tpu.region"() ({
      %run_scoped3A = tpu.sem_alloc : memref<!tpu.dma_semaphore, #tpu.memory_space<semaphore_mem>>
      %dma_start3A_250 = tpu.memref_slice %arg2[%mul3A_2] : memref<204800xi32, #tpu.memory_space<hbm>> -> memref<6400xi32, #tpu.memory_space<hbm>>
      %dma_start3A_251 = tpu.memref_slice %arg2[%mul3A_2] : memref<204800xi32, #tpu.memory_space<hbm>> -> memref<6400xi32, #tpu.memory_space<hbm>>
      tpu.enqueue_dma source(%dma_start3A_251 : memref<6400xi32, #tpu.memory_space<hbm>>) target(%arg8 : memref<6400xi32, #tpu.memory_space<vmem>>) target_semaphore(%run_scoped3A : memref<!tpu.dma_semaphore, #tpu.memory_space<semaphore_mem>>)
      %dma_wait3A_252 = tpu.memref_slice %arg2[%mul3A_2] : memref<204800xi32, #tpu.memory_space<hbm>> -> memref<6400xi32, #tpu.memory_space<hbm>>
      %dma_wait3A_253 = tpu.memref_slice %arg2[%mul3A_2] : memref<204800xi32, #tpu.memory_space<hbm>> -> memref<6400xi32, #tpu.memory_space<hbm>>
      tpu.wait_dma2 semaphore(%run_scoped3A : memref<!tpu.dma_semaphore, #tpu.memory_space<semaphore_mem>>) src(%dma_wait3A_253 : memref<6400xi32, #tpu.memory_space<hbm>>) dst(%arg8 : memref<6400xi32, #tpu.memory_space<vmem>>)
      tpu.yield
    }) : () -> ()
    "tpu.region"() ({
      %run_scoped3A = tpu.sem_alloc : memref<!tpu.dma_semaphore, #tpu.memory_space<semaphore_mem>>
      %dma_start3A_250 = tpu.memref_slice %arg3[%mul3A_2] : memref<204800xi32, #tpu.memory_space<hbm>> -> memref<6400xi32, #tpu.memory_space<hbm>>
      %dma_start3A_251 = tpu.memref_slice %arg3[%mul3A_2] : memref<204800xi32, #tpu.memory_space<hbm>> -> memref<6400xi32, #tpu.memory_space<hbm>>
      tpu.enqueue_dma source(%dma_start3A_251 : memref<6400xi32, #tpu.memory_space<hbm>>) target(%arg9 : memref<6400xi32, #tpu.memory_space<vmem>>) target_semaphore(%run_scoped3A : memref<!tpu.dma_semaphore, #tpu.memory_space<semaphore_mem>>)
      %dma_wait3A_252 = tpu.memref_slice %arg3[%mul3A_2] : memref<204800xi32, #tpu.memory_space<hbm>> -> memref<6400xi32, #tpu.memory_space<hbm>>
      %dma_wait3A_253 = tpu.memref_slice %arg3[%mul3A_2] : memref<204800xi32, #tpu.memory_space<hbm>> -> memref<6400xi32, #tpu.memory_space<hbm>>
      tpu.wait_dma2 semaphore(%run_scoped3A : memref<!tpu.dma_semaphore, #tpu.memory_space<semaphore_mem>>) src(%dma_wait3A_253 : memref<6400xi32, #tpu.memory_space<hbm>>) dst(%arg9 : memref<6400xi32, #tpu.memory_space<vmem>>)
      tpu.yield
    }) : () -> ()
    %scan3A = arith.constant 0 : i32
    %scan3A_3 = arith.constant 0 : i32
    %scan3A_4 = arith.constant 50 : i32
    %scan3A_5 = arith.addi %scan3A_3, %scan3A_4 : i32
    %scan3A_6 = arith.constant 1 : i32
    scf.for %scan3A_250 = %scan3A_3 to %scan3A_5 step %scan3A_6  : i32 {
      %mul3A_251 = arith.constant 128 : i32
      %mul3A_252 = arith.muli %scan3A_250, %mul3A_251 : i32
      %dma_start3A_253 = tpu.memref_slice %arg10[%mul3A_252] : memref<6400xf32, #tpu.memory_space<vmem>> -> memref<128xf32, #tpu.memory_space<vmem>>
      %dma_start3A_254 = tpu.memref_slice %arg8[%mul3A_252] : memref<6400xi32, #tpu.memory_space<vmem>> -> memref<128xi32, #tpu.memory_space<vmem>>
      %dma_start3A_255 = arith.constant 0 : i32
      %dma_start3A_256 = tpu.memref_slice %arg5[%dma_start3A_255] : memref<1001024xf32, #tpu.memory_space<hbm>> -> memref<1001024xf32, #tpu.memory_space<hbm>>
      tpu.enqueue_indirect_dma source(%dma_start3A_256 : memref<1001024xf32, #tpu.memory_space<hbm>>) target(%dma_start3A_253 : memref<128xf32, #tpu.memory_space<vmem>>) offsets(%dma_start3A_254 : memref<128xi32, #tpu.memory_space<vmem>>) semaphore(%arg28 : memref<!tpu.dma_semaphore, #tpu.memory_space<semaphore_mem>>)
      %dma_start3A_257 = tpu.memref_slice %arg11[%mul3A_252] : memref<6400xf32, #tpu.memory_space<vmem>> -> memref<128xf32, #tpu.memory_space<vmem>>
      %dma_start3A_258 = tpu.memref_slice %arg9[%mul3A_252] : memref<6400xi32, #tpu.memory_space<vmem>> -> memref<128xi32, #tpu.memory_space<vmem>>
      %dma_start3A_259 = arith.constant 0 : i32
      %dma_start3A_260 = tpu.memref_slice %arg5[%dma_start3A_259] : memref<1001024xf32, #tpu.memory_space<hbm>> -> memref<1001024xf32, #tpu.memory_space<hbm>>
      tpu.enqueue_indirect_dma source(%dma_start3A_260 : memref<1001024xf32, #tpu.memory_space<hbm>>) target(%dma_start3A_257 : memref<128xf32, #tpu.memory_space<vmem>>) offsets(%dma_start3A_258 : memref<128xi32, #tpu.memory_space<vmem>>) semaphore(%arg28 : memref<!tpu.dma_semaphore, #tpu.memory_space<semaphore_mem>>)
    }
    %scan3A_7 = arith.constant 50 : i32
    %dma_start3A = arith.constant 0 : i32
    %dma_start3A_8 = tpu.memref_slice %arg8[%dma_start3A] : memref<6400xi32, #tpu.memory_space<vmem>> -> memref<16xi32, #tpu.memory_space<vmem>>
    %dma_start3A_9 = arith.constant 0 : i32
    %dma_start3A_10 = arith.constant 0 : i32
    %dma_start3A_11 = tpu.memref_slice %arg4[%dma_start3A_9, %dma_start3A_10] : memref<1000x1024xf32, #tpu.memory_space<hbm>> -> memref<1000x1024xf32, #tpu.memory_space<hbm>>
    tpu.enqueue_indirect_dma source(%dma_start3A_11 : memref<1000x1024xf32, #tpu.memory_space<hbm>>) target(%arg12 : memref<16x1024xf32, #tpu.memory_space<vmem>>) offsets(%dma_start3A_8 : memref<16xi32, #tpu.memory_space<vmem>>) semaphore(%arg18 : memref<!tpu.dma_semaphore, #tpu.memory_space<semaphore_mem>>)
    %dma_start3A_12 = arith.constant 16 : i32
    %dma_start3A_13 = tpu.memref_slice %arg8[%dma_start3A_12] : memref<6400xi32, #tpu.memory_space<vmem>> -> memref<16xi32, #tpu.memory_space<vmem>>
    %dma_start3A_14 = arith.constant 0 : i32
    %dma_start3A_15 = arith.constant 0 : i32
    %dma_start3A_16 = tpu.memref_slice %arg4[%dma_start3A_14, %dma_start3A_15] : memref<1000x1024xf32, #tpu.memory_space<hbm>> -> memref<1000x1024xf32, #tpu.memory_space<hbm>>
    tpu.enqueue_indirect_dma source(%dma_start3A_16 : memref<1000x1024xf32, #tpu.memory_space<hbm>>) target(%arg13 : memref<16x1024xf32, #tpu.memory_space<vmem>>) offsets(%dma_start3A_13 : memref<16xi32, #tpu.memory_space<vmem>>) semaphore(%arg19 : memref<!tpu.dma_semaphore, #tpu.memory_space<semaphore_mem>>)
    %dma_start3A_17 = arith.constant 32 : i32
    %dma_start3A_18 = tpu.memref_slice %arg8[%dma_start3A_17] : memref<6400xi32, #tpu.memory_space<vmem>> -> memref<16xi32, #tpu.memory_space<vmem>>
    %dma_start3A_19 = arith.constant 0 : i32
    %dma_start3A_20 = arith.constant 0 : i32
    %dma_start3A_21 = tpu.memref_slice %arg4[%dma_start3A_19, %dma_start3A_20] : memref<1000x1024xf32, #tpu.memory_space<hbm>> -> memref<1000x1024xf32, #tpu.memory_space<hbm>>
    tpu.enqueue_indirect_dma source(%dma_start3A_21 : memref<1000x1024xf32, #tpu.memory_space<hbm>>) target(%arg14 : memref<16x1024xf32, #tpu.memory_space<vmem>>) offsets(%dma_start3A_18 : memref<16xi32, #tpu.memory_space<vmem>>) semaphore(%arg20 : memref<!tpu.dma_semaphore, #tpu.memory_space<semaphore_mem>>)
    %dma_start3A_22 = arith.constant 48 : i32
    %dma_start3A_23 = tpu.memref_slice %arg8[%dma_start3A_22] : memref<6400xi32, #tpu.memory_space<vmem>> -> memref<16xi32, #tpu.memory_space<vmem>>
    %dma_start3A_24 = arith.constant 0 : i32
    %dma_start3A_25 = arith.constant 0 : i32
    %dma_start3A_26 = tpu.memref_slice %arg4[%dma_start3A_24, %dma_start3A_25] : memref<1000x1024xf32, #tpu.memory_space<hbm>> -> memref<1000x1024xf32, #tpu.memory_space<hbm>>
    tpu.enqueue_indirect_dma source(%dma_start3A_26 : memref<1000x1024xf32, #tpu.memory_space<hbm>>) target(%arg15 : memref<16x1024xf32, #tpu.memory_space<vmem>>) offsets(%dma_start3A_23 : memref<16xi32, #tpu.memory_space<vmem>>) semaphore(%arg21 : memref<!tpu.dma_semaphore, #tpu.memory_space<semaphore_mem>>)
    %dma_wait3A = arith.constant 0 : i32
    %dma_wait3A_27 = tpu.memref_slice %arg8[%dma_wait3A] : memref<6400xi32, #tpu.memory_space<vmem>> -> memref<16xi32, #tpu.memory_space<vmem>>
    %dma_wait3A_28 = arith.constant 0 : i32
    %dma_wait3A_29 = arith.constant 0 : i32
    %dma_wait3A_30 = tpu.memref_slice %arg4[%dma_wait3A_28, %dma_wait3A_29] : memref<1000x1024xf32, #tpu.memory_space<hbm>> -> memref<1000x1024xf32, #tpu.memory_space<hbm>>
    tpu.wait_indirect_dma semaphore(%arg18 : memref<!tpu.dma_semaphore, #tpu.memory_space<semaphore_mem>>) src(%dma_wait3A_30 : memref<1000x1024xf32, #tpu.memory_space<hbm>>) dst(%arg12 : memref<16x1024xf32, #tpu.memory_space<vmem>>)
    %add3A_31 = arith.constant 0 : i32
    %add3A_32 = arith.addi %mul3A_2, %add3A_31 : i32
    %dma_start3A_33 = arith.constant 0 : i32
    %dma_start3A_34 = tpu.memref_slice %arg6[%add3A_32, %dma_start3A_33] : memref<204800x1024xf32, #tpu.memory_space<hbm>> -> memref<16x1024xf32, #tpu.memory_space<hbm>>
    %dma_start3A_35 = arith.constant 0 : i32
    %dma_start3A_36 = tpu.memref_slice %arg6[%add3A_32, %dma_start3A_35] : memref<204800x1024xf32, #tpu.memory_space<hbm>> -> memref<16x1024xf32, #tpu.memory_space<hbm>>
    tpu.enqueue_dma source(%arg12 : memref<16x1024xf32, #tpu.memory_space<vmem>>) target(%dma_start3A_36 : memref<16x1024xf32, #tpu.memory_space<hbm>>) target_semaphore(%arg23 : memref<!tpu.dma_semaphore, #tpu.memory_space<semaphore_mem>>)
    %dma_start3A_37 = arith.constant 64 : i32
    %dma_start3A_38 = tpu.memref_slice %arg8[%dma_start3A_37] : memref<6400xi32, #tpu.memory_space<vmem>> -> memref<16xi32, #tpu.memory_space<vmem>>
    %dma_start3A_39 = arith.constant 0 : i32
    %dma_start3A_40 = arith.constant 0 : i32
    %dma_start3A_41 = tpu.memref_slice %arg4[%dma_start3A_39, %dma_start3A_40] : memref<1000x1024xf32, #tpu.memory_space<hbm>> -> memref<1000x1024xf32, #tpu.memory_space<hbm>>
    tpu.enqueue_indirect_dma source(%dma_start3A_41 : memref<1000x1024xf32, #tpu.memory_space<hbm>>) target(%arg16 : memref<16x1024xf32, #tpu.memory_space<vmem>>) offsets(%dma_start3A_38 : memref<16xi32, #tpu.memory_space<vmem>>) semaphore(%arg22 : memref<!tpu.dma_semaphore, #tpu.memory_space<semaphore_mem>>)
    %dma_wait3A_42 = arith.constant 0 : i32
    %dma_wait3A_43 = tpu.memref_slice %arg8[%dma_wait3A_42] : memref<6400xi32, #tpu.memory_space<vmem>> -> memref<16xi32, #tpu.memory_space<vmem>>
    %dma_wait3A_44 = arith.constant 0 : i32
    %dma_wait3A_45 = arith.constant 0 : i32
    %dma_wait3A_46 = tpu.memref_slice %arg4[%dma_wait3A_44, %dma_wait3A_45] : memref<1000x1024xf32, #tpu.memory_space<hbm>> -> memref<1000x1024xf32, #tpu.memory_space<hbm>>
    tpu.wait_indirect_dma semaphore(%arg19 : memref<!tpu.dma_semaphore, #tpu.memory_space<semaphore_mem>>) src(%dma_wait3A_46 : memref<1000x1024xf32, #tpu.memory_space<hbm>>) dst(%arg13 : memref<16x1024xf32, #tpu.memory_space<vmem>>)
    %add3A_47 = arith.constant 16 : i32
    %add3A_48 = arith.addi %mul3A_2, %add3A_47 : i32
    %dma_start3A_49 = arith.constant 0 : i32
    %dma_start3A_50 = tpu.memref_slice %arg6[%add3A_48, %dma_start3A_49] : memref<204800x1024xf32, #tpu.memory_space<hbm>> -> memref<16x1024xf32, #tpu.memory_space<hbm>>
    %dma_start3A_51 = arith.constant 0 : i32
    %dma_start3A_52 = tpu.memref_slice %arg6[%add3A_48, %dma_start3A_51] : memref<204800x1024xf32, #tpu.memory_space<hbm>> -> memref<16x1024xf32, #tpu.memory_space<hbm>>
    tpu.enqueue_dma source(%arg13 : memref<16x1024xf32, #tpu.memory_space<vmem>>) target(%dma_start3A_52 : memref<16x1024xf32, #tpu.memory_space<hbm>>) target_semaphore(%arg24 : memref<!tpu.dma_semaphore, #tpu.memory_space<semaphore_mem>>)
    %dma_wait3A_53 = arith.constant 0 : i32
    %dma_wait3A_54 = arith.constant 0 : i32
    %dma_wait3A_55 = tpu.memref_slice %arg6[%dma_wait3A_53, %dma_wait3A_54] : memref<204800x1024xf32, #tpu.memory_space<hbm>> -> memref<16x1024xf32, #tpu.memory_space<hbm>>
    %dma_wait3A_56 = arith.constant 0 : i32
    %dma_wait3A_57 = arith.constant 0 : i32
    %dma_wait3A_58 = tpu.memref_slice %arg6[%dma_wait3A_56, %dma_wait3A_57] : memref<204800x1024xf32, #tpu.memory_space<hbm>> -> memref<16x1024xf32, #tpu.memory_space<hbm>>
    tpu.wait_dma2 semaphore(%arg23 : memref<!tpu.dma_semaphore, #tpu.memory_space<semaphore_mem>>) src(%arg12 : memref<16x1024xf32, #tpu.memory_space<vmem>>) dst(%dma_wait3A_58 : memref<16x1024xf32, #tpu.memory_space<hbm>>)
    %dma_start3A_59 = arith.constant 80 : i32
    %dma_start3A_60 = tpu.memref_slice %arg8[%dma_start3A_59] : memref<6400xi32, #tpu.memory_space<vmem>> -> memref<16xi32, #tpu.memory_space<vmem>>
    %dma_start3A_61 = arith.constant 0 : i32
    %dma_start3A_62 = arith.constant 0 : i32
    %dma_start3A_63 = tpu.memref_slice %arg4[%dma_start3A_61, %dma_start3A_62] : memref<1000x1024xf32, #tpu.memory_space<hbm>> -> memref<1000x1024xf32, #tpu.memory_space<hbm>>
    tpu.enqueue_indirect_dma source(%dma_start3A_63 : memref<1000x1024xf32, #tpu.memory_space<hbm>>) target(%arg12 : memref<16x1024xf32, #tpu.memory_space<vmem>>) offsets(%dma_start3A_60 : memref<16xi32, #tpu.memory_space<vmem>>) semaphore(%arg18 : memref<!tpu.dma_semaphore, #tpu.memory_space<semaphore_mem>>)
    %dma_wait3A_64 = arith.constant 0 : i32
    %dma_wait3A_65 = tpu.memref_slice %arg8[%dma_wait3A_64] : memref<6400xi32, #tpu.memory_space<vmem>> -> memref<16xi32, #tpu.memory_space<vmem>>
    %dma_wait3A_66 = arith.constant 0 : i32
    %dma_wait3A_67 = arith.constant 0 : i32
    %dma_wait3A_68 = tpu.memref_slice %arg4[%dma_wait3A_66, %dma_wait3A_67] : memref<1000x1024xf32, #tpu.memory_space<hbm>> -> memref<1000x1024xf32, #tpu.memory_space<hbm>>
    tpu.wait_indirect_dma semaphore(%arg20 : memref<!tpu.dma_semaphore, #tpu.memory_space<semaphore_mem>>) src(%dma_wait3A_68 : memref<1000x1024xf32, #tpu.memory_space<hbm>>) dst(%arg14 : memref<16x1024xf32, #tpu.memory_space<vmem>>)
    %add3A_69 = arith.constant 32 : i32
    %add3A_70 = arith.addi %mul3A_2, %add3A_69 : i32
    %dma_start3A_71 = arith.constant 0 : i32
    %dma_start3A_72 = tpu.memref_slice %arg6[%add3A_70, %dma_start3A_71] : memref<204800x1024xf32, #tpu.memory_space<hbm>> -> memref<16x1024xf32, #tpu.memory_space<hbm>>
    %dma_start3A_73 = arith.constant 0 : i32
    %dma_start3A_74 = tpu.memref_slice %arg6[%add3A_70, %dma_start3A_73] : memref<204800x1024xf32, #tpu.memory_space<hbm>> -> memref<16x1024xf32, #tpu.memory_space<hbm>>
    tpu.enqueue_dma source(%arg14 : memref<16x1024xf32, #tpu.memory_space<vmem>>) target(%dma_start3A_74 : memref<16x1024xf32, #tpu.memory_space<hbm>>) target_semaphore(%arg25 : memref<!tpu.dma_semaphore, #tpu.memory_space<semaphore_mem>>)
    %dma_wait3A_75 = arith.constant 0 : i32
    %dma_wait3A_76 = arith.constant 0 : i32
    %dma_wait3A_77 = tpu.memref_slice %arg6[%dma_wait3A_75, %dma_wait3A_76] : memref<204800x1024xf32, #tpu.memory_space<hbm>> -> memref<16x1024xf32, #tpu.memory_space<hbm>>
    %dma_wait3A_78 = arith.constant 0 : i32
    %dma_wait3A_79 = arith.constant 0 : i32
    %dma_wait3A_80 = tpu.memref_slice %arg6[%dma_wait3A_78, %dma_wait3A_79] : memref<204800x1024xf32, #tpu.memory_space<hbm>> -> memref<16x1024xf32, #tpu.memory_space<hbm>>
    tpu.wait_dma2 semaphore(%arg24 : memref<!tpu.dma_semaphore, #tpu.memory_space<semaphore_mem>>) src(%arg13 : memref<16x1024xf32, #tpu.memory_space<vmem>>) dst(%dma_wait3A_80 : memref<16x1024xf32, #tpu.memory_space<hbm>>)
    %dma_start3A_81 = arith.constant 96 : i32
    %dma_start3A_82 = tpu.memref_slice %arg8[%dma_start3A_81] : memref<6400xi32, #tpu.memory_space<vmem>> -> memref<16xi32, #tpu.memory_space<vmem>>
    %dma_start3A_83 = arith.constant 0 : i32
    %dma_start3A_84 = arith.constant 0 : i32
    %dma_start3A_85 = tpu.memref_slice %arg4[%dma_start3A_83, %dma_start3A_84] : memref<1000x1024xf32, #tpu.memory_space<hbm>> -> memref<1000x1024xf32, #tpu.memory_space<hbm>>
    tpu.enqueue_indirect_dma source(%dma_start3A_85 : memref<1000x1024xf32, #tpu.memory_space<hbm>>) target(%arg13 : memref<16x1024xf32, #tpu.memory_space<vmem>>) offsets(%dma_start3A_82 : memref<16xi32, #tpu.memory_space<vmem>>) semaphore(%arg19 : memref<!tpu.dma_semaphore, #tpu.memory_space<semaphore_mem>>)
    %dma_wait3A_86 = arith.constant 0 : i32
    %dma_wait3A_87 = tpu.memref_slice %arg8[%dma_wait3A_86] : memref<6400xi32, #tpu.memory_space<vmem>> -> memref<16xi32, #tpu.memory_space<vmem>>
    %dma_wait3A_88 = arith.constant 0 : i32
    %dma_wait3A_89 = arith.constant 0 : i32
    %dma_wait3A_90 = tpu.memref_slice %arg4[%dma_wait3A_88, %dma_wait3A_89] : memref<1000x1024xf32, #tpu.memory_space<hbm>> -> memref<1000x1024xf32, #tpu.memory_space<hbm>>
    tpu.wait_indirect_dma semaphore(%arg21 : memref<!tpu.dma_semaphore, #tpu.memory_space<semaphore_mem>>) src(%dma_wait3A_90 : memref<1000x1024xf32, #tpu.memory_space<hbm>>) dst(%arg15 : memref<16x1024xf32, #tpu.memory_space<vmem>>)
    %add3A_91 = arith.constant 48 : i32
    %add3A_92 = arith.addi %mul3A_2, %add3A_91 : i32
    %dma_start3A_93 = arith.constant 0 : i32
    %dma_start3A_94 = tpu.memref_slice %arg6[%add3A_92, %dma_start3A_93] : memref<204800x1024xf32, #tpu.memory_space<hbm>> -> memref<16x1024xf32, #tpu.memory_space<hbm>>
    %dma_start3A_95 = arith.constant 0 : i32
    %dma_start3A_96 = tpu.memref_slice %arg6[%add3A_92, %dma_start3A_95] : memref<204800x1024xf32, #tpu.memory_space<hbm>> -> memref<16x1024xf32, #tpu.memory_space<hbm>>
    tpu.enqueue_dma source(%arg15 : memref<16x1024xf32, #tpu.memory_space<vmem>>) target(%dma_start3A_96 : memref<16x1024xf32, #tpu.memory_space<hbm>>) target_semaphore(%arg26 : memref<!tpu.dma_semaphore, #tpu.memory_space<semaphore_mem>>)
    %dma_wait3A_97 = arith.constant 0 : i32
    %dma_wait3A_98 = arith.constant 0 : i32
    %dma_wait3A_99 = tpu.memref_slice %arg6[%dma_wait3A_97, %dma_wait3A_98] : memref<204800x1024xf32, #tpu.memory_space<hbm>> -> memref<16x1024xf32, #tpu.memory_space<hbm>>
    %dma_wait3A_100 = arith.constant 0 : i32
    %dma_wait3A_101 = arith.constant 0 : i32
    %dma_wait3A_102 = tpu.memref_slice %arg6[%dma_wait3A_100, %dma_wait3A_101] : memref<204800x1024xf32, #tpu.memory_space<hbm>> -> memref<16x1024xf32, #tpu.memory_space<hbm>>
    tpu.wait_dma2 semaphore(%arg25 : memref<!tpu.dma_semaphore, #tpu.memory_space<semaphore_mem>>) src(%arg14 : memref<16x1024xf32, #tpu.memory_space<vmem>>) dst(%dma_wait3A_102 : memref<16x1024xf32, #tpu.memory_space<hbm>>)
    %dma_start3A_103 = arith.constant 112 : i32
    %dma_start3A_104 = tpu.memref_slice %arg8[%dma_start3A_103] : memref<6400xi32, #tpu.memory_space<vmem>> -> memref<16xi32, #tpu.memory_space<vmem>>
    %dma_start3A_105 = arith.constant 0 : i32
    %dma_start3A_106 = arith.constant 0 : i32
    %dma_start3A_107 = tpu.memref_slice %arg4[%dma_start3A_105, %dma_start3A_106] : memref<1000x1024xf32, #tpu.memory_space<hbm>> -> memref<1000x1024xf32, #tpu.memory_space<hbm>>
    tpu.enqueue_indirect_dma source(%dma_start3A_107 : memref<1000x1024xf32, #tpu.memory_space<hbm>>) target(%arg14 : memref<16x1024xf32, #tpu.memory_space<vmem>>) offsets(%dma_start3A_104 : memref<16xi32, #tpu.memory_space<vmem>>) semaphore(%arg20 : memref<!tpu.dma_semaphore, #tpu.memory_space<semaphore_mem>>)
    %dma_wait3A_108 = arith.constant 0 : i32
    %dma_wait3A_109 = tpu.memref_slice %arg8[%dma_wait3A_108] : memref<6400xi32, #tpu.memory_space<vmem>> -> memref<16xi32, #tpu.memory_space<vmem>>
    %dma_wait3A_110 = arith.constant 0 : i32
    %dma_wait3A_111 = arith.constant 0 : i32
    %dma_wait3A_112 = tpu.memref_slice %arg4[%dma_wait3A_110, %dma_wait3A_111] : memref<1000x1024xf32, #tpu.memory_space<hbm>> -> memref<1000x1024xf32, #tpu.memory_space<hbm>>
    tpu.wait_indirect_dma semaphore(%arg22 : memref<!tpu.dma_semaphore, #tpu.memory_space<semaphore_mem>>) src(%dma_wait3A_112 : memref<1000x1024xf32, #tpu.memory_space<hbm>>) dst(%arg16 : memref<16x1024xf32, #tpu.memory_space<vmem>>)
    %add3A_113 = arith.constant 64 : i32
    %add3A_114 = arith.addi %mul3A_2, %add3A_113 : i32
    %dma_start3A_115 = arith.constant 0 : i32
    %dma_start3A_116 = tpu.memref_slice %arg6[%add3A_114, %dma_start3A_115] : memref<204800x1024xf32, #tpu.memory_space<hbm>> -> memref<16x1024xf32, #tpu.memory_space<hbm>>
    %dma_start3A_117 = arith.constant 0 : i32
    %dma_start3A_118 = tpu.memref_slice %arg6[%add3A_114, %dma_start3A_117] : memref<204800x1024xf32, #tpu.memory_space<hbm>> -> memref<16x1024xf32, #tpu.memory_space<hbm>>
    tpu.enqueue_dma source(%arg16 : memref<16x1024xf32, #tpu.memory_space<vmem>>) target(%dma_start3A_118 : memref<16x1024xf32, #tpu.memory_space<hbm>>) target_semaphore(%arg27 : memref<!tpu.dma_semaphore, #tpu.memory_space<semaphore_mem>>)
    %dma_wait3A_119 = arith.constant 0 : i32
    %dma_wait3A_120 = arith.constant 0 : i32
    %dma_wait3A_121 = tpu.memref_slice %arg6[%dma_wait3A_119, %dma_wait3A_120] : memref<204800x1024xf32, #tpu.memory_space<hbm>> -> memref<16x1024xf32, #tpu.memory_space<hbm>>
    %dma_wait3A_122 = arith.constant 0 : i32
    %dma_wait3A_123 = arith.constant 0 : i32
    %dma_wait3A_124 = tpu.memref_slice %arg6[%dma_wait3A_122, %dma_wait3A_123] : memref<204800x1024xf32, #tpu.memory_space<hbm>> -> memref<16x1024xf32, #tpu.memory_space<hbm>>
    tpu.wait_dma2 semaphore(%arg26 : memref<!tpu.dma_semaphore, #tpu.memory_space<semaphore_mem>>) src(%arg15 : memref<16x1024xf32, #tpu.memory_space<vmem>>) dst(%dma_wait3A_124 : memref<16x1024xf32, #tpu.memory_space<hbm>>)
    %dma_start3A_125 = arith.constant 128 : i32
    %dma_start3A_126 = tpu.memref_slice %arg8[%dma_start3A_125] : memref<6400xi32, #tpu.memory_space<vmem>> -> memref<16xi32, #tpu.memory_space<vmem>>
    %dma_start3A_127 = arith.constant 0 : i32
    %dma_start3A_128 = arith.constant 0 : i32
    %dma_start3A_129 = tpu.memref_slice %arg4[%dma_start3A_127, %dma_start3A_128] : memref<1000x1024xf32, #tpu.memory_space<hbm>> -> memref<1000x1024xf32, #tpu.memory_space<hbm>>
    tpu.enqueue_indirect_dma source(%dma_start3A_129 : memref<1000x1024xf32, #tpu.memory_space<hbm>>) target(%arg15 : memref<16x1024xf32, #tpu.memory_space<vmem>>) offsets(%dma_start3A_126 : memref<16xi32, #tpu.memory_space<vmem>>) semaphore(%arg21 : memref<!tpu.dma_semaphore, #tpu.memory_space<semaphore_mem>>)
    %scan3A_130 = arith.constant 0 : i32
    %scan3A_131 = arith.constant 1 : i32
    %scan3A_132 = arith.constant 78 : i32
    %scan3A_133 = arith.addi %scan3A_131, %scan3A_132 : i32
    %scan3A_134 = arith.constant 1 : i32
    scf.for %scan3A_250 = %scan3A_131 to %scan3A_133 step %scan3A_134  : i32 {
      %mul3A_251 = arith.constant 5 : i32
      %mul3A_252 = arith.muli %scan3A_250, %mul3A_251 : i32
      %add3A_253 = arith.constant 0 : i32
      %add3A_254 = arith.addi %mul3A_252, %add3A_253 : i32
      %dma_wait3A_255 = arith.constant 0 : i32
      %dma_wait3A_256 = tpu.memref_slice %arg8[%dma_wait3A_255] : memref<6400xi32, #tpu.memory_space<vmem>> -> memref<16xi32, #tpu.memory_space<vmem>>
      %dma_wait3A_257 = arith.constant 0 : i32
      %dma_wait3A_258 = arith.constant 0 : i32
      %dma_wait3A_259 = tpu.memref_slice %arg4[%dma_wait3A_257, %dma_wait3A_258] : memref<1000x1024xf32, #tpu.memory_space<hbm>> -> memref<1000x1024xf32, #tpu.memory_space<hbm>>
      tpu.wait_indirect_dma semaphore(%arg18 : memref<!tpu.dma_semaphore, #tpu.memory_space<semaphore_mem>>) src(%dma_wait3A_259 : memref<1000x1024xf32, #tpu.memory_space<hbm>>) dst(%arg12 : memref<16x1024xf32, #tpu.memory_space<vmem>>)
      %mul3A_260 = arith.constant 16 : i32
      %mul3A_261 = arith.muli %add3A_254, %mul3A_260 : i32
      %add3A_262 = arith.addi %mul3A_2, %mul3A_261 : i32
      %dma_start3A_263 = arith.constant 0 : i32
      %dma_start3A_264 = tpu.memref_slice %arg6[%add3A_262, %dma_start3A_263] : memref<204800x1024xf32, #tpu.memory_space<hbm>> -> memref<16x1024xf32, #tpu.memory_space<hbm>>
      %dma_start3A_265 = arith.constant 0 : i32
      %dma_start3A_266 = tpu.memref_slice %arg6[%add3A_262, %dma_start3A_265] : memref<204800x1024xf32, #tpu.memory_space<hbm>> -> memref<16x1024xf32, #tpu.memory_space<hbm>>
      tpu.enqueue_dma source(%arg12 : memref<16x1024xf32, #tpu.memory_space<vmem>>) target(%dma_start3A_266 : memref<16x1024xf32, #tpu.memory_space<hbm>>) target_semaphore(%arg23 : memref<!tpu.dma_semaphore, #tpu.memory_space<semaphore_mem>>)
      %dma_wait3A_267 = arith.constant 0 : i32
      %dma_wait3A_268 = arith.constant 0 : i32
      %dma_wait3A_269 = tpu.memref_slice %arg6[%dma_wait3A_267, %dma_wait3A_268] : memref<204800x1024xf32, #tpu.memory_space<hbm>> -> memref<16x1024xf32, #tpu.memory_space<hbm>>
      %dma_wait3A_270 = arith.constant 0 : i32
      %dma_wait3A_271 = arith.constant 0 : i32
      %dma_wait3A_272 = tpu.memref_slice %arg6[%dma_wait3A_270, %dma_wait3A_271] : memref<204800x1024xf32, #tpu.memory_space<hbm>> -> memref<16x1024xf32, #tpu.memory_space<hbm>>
      tpu.wait_dma2 semaphore(%arg27 : memref<!tpu.dma_semaphore, #tpu.memory_space<semaphore_mem>>) src(%arg16 : memref<16x1024xf32, #tpu.memory_space<vmem>>) dst(%dma_wait3A_272 : memref<16x1024xf32, #tpu.memory_space<hbm>>)
      %add3A_273 = arith.constant 4 : i32
      %add3A_274 = arith.addi %add3A_254, %add3A_273 : i32
      %mul3A_275 = arith.constant 16 : i32
      %mul3A_276 = arith.muli %add3A_274, %mul3A_275 : i32
      %dma_start3A_277 = tpu.memref_slice %arg8[%mul3A_276] : memref<6400xi32, #tpu.memory_space<vmem>> -> memref<16xi32, #tpu.memory_space<vmem>>
      %dma_start3A_278 = arith.constant 0 : i32
      %dma_start3A_279 = arith.constant 0 : i32
      %dma_start3A_280 = tpu.memref_slice %arg4[%dma_start3A_278, %dma_start3A_279] : memref<1000x1024xf32, #tpu.memory_space<hbm>> -> memref<1000x1024xf32, #tpu.memory_space<hbm>>
      tpu.enqueue_indirect_dma source(%dma_start3A_280 : memref<1000x1024xf32, #tpu.memory_space<hbm>>) target(%arg16 : memref<16x1024xf32, #tpu.memory_space<vmem>>) offsets(%dma_start3A_277 : memref<16xi32, #tpu.memory_space<vmem>>) semaphore(%arg22 : memref<!tpu.dma_semaphore, #tpu.memory_space<semaphore_mem>>)
      %mul3A_281 = arith.constant 5 : i32
      %mul3A_282 = arith.muli %scan3A_250, %mul3A_281 : i32
      %add3A_283 = arith.constant 1 : i32
      %add3A_284 = arith.addi %mul3A_282, %add3A_283 : i32
      %dma_wait3A_285 = arith.constant 0 : i32
      %dma_wait3A_286 = tpu.memref_slice %arg8[%dma_wait3A_285] : memref<6400xi32, #tpu.memory_space<vmem>> -> memref<16xi32, #tpu.memory_space<vmem>>
      %dma_wait3A_287 = arith.constant 0 : i32
      %dma_wait3A_288 = arith.constant 0 : i32
      %dma_wait3A_289 = tpu.memref_slice %arg4[%dma_wait3A_287, %dma_wait3A_288] : memref<1000x1024xf32, #tpu.memory_space<hbm>> -> memref<1000x1024xf32, #tpu.memory_space<hbm>>
      tpu.wait_indirect_dma semaphore(%arg19 : memref<!tpu.dma_semaphore, #tpu.memory_space<semaphore_mem>>) src(%dma_wait3A_289 : memref<1000x1024xf32, #tpu.memory_space<hbm>>) dst(%arg13 : memref<16x1024xf32, #tpu.memory_space<vmem>>)
      %mul3A_290 = arith.constant 16 : i32
      %mul3A_291 = arith.muli %add3A_284, %mul3A_290 : i32
      %add3A_292 = arith.addi %mul3A_2, %mul3A_291 : i32
      %dma_start3A_293 = arith.constant 0 : i32
      %dma_start3A_294 = tpu.memref_slice %arg6[%add3A_292, %dma_start3A_293] : memref<204800x1024xf32, #tpu.memory_space<hbm>> -> memref<16x1024xf32, #tpu.memory_space<hbm>>
      %dma_start3A_295 = arith.constant 0 : i32
      %dma_start3A_296 = tpu.memref_slice %arg6[%add3A_292, %dma_start3A_295] : memref<204800x1024xf32, #tpu.memory_space<hbm>> -> memref<16x1024xf32, #tpu.memory_space<hbm>>
      tpu.enqueue_dma source(%arg13 : memref<16x1024xf32, #tpu.memory_space<vmem>>) target(%dma_start3A_296 : memref<16x1024xf32, #tpu.memory_space<hbm>>) target_semaphore(%arg24 : memref<!tpu.dma_semaphore, #tpu.memory_space<semaphore_mem>>)
      %dma_wait3A_297 = arith.constant 0 : i32
      %dma_wait3A_298 = arith.constant 0 : i32
      %dma_wait3A_299 = tpu.memref_slice %arg6[%dma_wait3A_297, %dma_wait3A_298] : memref<204800x1024xf32, #tpu.memory_space<hbm>> -> memref<16x1024xf32, #tpu.memory_space<hbm>>
      %dma_wait3A_300 = arith.constant 0 : i32
      %dma_wait3A_301 = arith.constant 0 : i32
      %dma_wait3A_302 = tpu.memref_slice %arg6[%dma_wait3A_300, %dma_wait3A_301] : memref<204800x1024xf32, #tpu.memory_space<hbm>> -> memref<16x1024xf32, #tpu.memory_space<hbm>>
      tpu.wait_dma2 semaphore(%arg23 : memref<!tpu.dma_semaphore, #tpu.memory_space<semaphore_mem>>) src(%arg12 : memref<16x1024xf32, #tpu.memory_space<vmem>>) dst(%dma_wait3A_302 : memref<16x1024xf32, #tpu.memory_space<hbm>>)
      %add3A_303 = arith.constant 4 : i32
      %add3A_304 = arith.addi %add3A_284, %add3A_303 : i32
      %mul3A_305 = arith.constant 16 : i32
      %mul3A_306 = arith.muli %add3A_304, %mul3A_305 : i32
      %dma_start3A_307 = tpu.memref_slice %arg8[%mul3A_306] : memref<6400xi32, #tpu.memory_space<vmem>> -> memref<16xi32, #tpu.memory_space<vmem>>
      %dma_start3A_308 = arith.constant 0 : i32
      %dma_start3A_309 = arith.constant 0 : i32
      %dma_start3A_310 = tpu.memref_slice %arg4[%dma_start3A_308, %dma_start3A_309] : memref<1000x1024xf32, #tpu.memory_space<hbm>> -> memref<1000x1024xf32, #tpu.memory_space<hbm>>
      tpu.enqueue_indirect_dma source(%dma_start3A_310 : memref<1000x1024xf32, #tpu.memory_space<hbm>>) target(%arg12 : memref<16x1024xf32, #tpu.memory_space<vmem>>) offsets(%dma_start3A_307 : memref<16xi32, #tpu.memory_space<vmem>>) semaphore(%arg18 : memref<!tpu.dma_semaphore, #tpu.memory_space<semaphore_mem>>)
      %mul3A_311 = arith.constant 5 : i32
      %mul3A_312 = arith.muli %scan3A_250, %mul3A_311 : i32
      %add3A_313 = arith.constant 2 : i32
      %add3A_314 = arith.addi %mul3A_312, %add3A_313 : i32
      %dma_wait3A_315 = arith.constant 0 : i32
      %dma_wait3A_316 = tpu.memref_slice %arg8[%dma_wait3A_315] : memref<6400xi32, #tpu.memory_space<vmem>> -> memref<16xi32, #tpu.memory_space<vmem>>
      %dma_wait3A_317 = arith.constant 0 : i32
      %dma_wait3A_318 = arith.constant 0 : i32
      %dma_wait3A_319 = tpu.memref_slice %arg4[%dma_wait3A_317, %dma_wait3A_318] : memref<1000x1024xf32, #tpu.memory_space<hbm>> -> memref<1000x1024xf32, #tpu.memory_space<hbm>>
      tpu.wait_indirect_dma semaphore(%arg20 : memref<!tpu.dma_semaphore, #tpu.memory_space<semaphore_mem>>) src(%dma_wait3A_319 : memref<1000x1024xf32, #tpu.memory_space<hbm>>) dst(%arg14 : memref<16x1024xf32, #tpu.memory_space<vmem>>)
      %mul3A_320 = arith.constant 16 : i32
      %mul3A_321 = arith.muli %add3A_314, %mul3A_320 : i32
      %add3A_322 = arith.addi %mul3A_2, %mul3A_321 : i32
      %dma_start3A_323 = arith.constant 0 : i32
      %dma_start3A_324 = tpu.memref_slice %arg6[%add3A_322, %dma_start3A_323] : memref<204800x1024xf32, #tpu.memory_space<hbm>> -> memref<16x1024xf32, #tpu.memory_space<hbm>>
      %dma_start3A_325 = arith.constant 0 : i32
      %dma_start3A_326 = tpu.memref_slice %arg6[%add3A_322, %dma_start3A_325] : memref<204800x1024xf32, #tpu.memory_space<hbm>> -> memref<16x1024xf32, #tpu.memory_space<hbm>>
      tpu.enqueue_dma source(%arg14 : memref<16x1024xf32, #tpu.memory_space<vmem>>) target(%dma_start3A_326 : memref<16x1024xf32, #tpu.memory_space<hbm>>) target_semaphore(%arg25 : memref<!tpu.dma_semaphore, #tpu.memory_space<semaphore_mem>>)
      %dma_wait3A_327 = arith.constant 0 : i32
      %dma_wait3A_328 = arith.constant 0 : i32
      %dma_wait3A_329 = tpu.memref_slice %arg6[%dma_wait3A_327, %dma_wait3A_328] : memref<204800x1024xf32, #tpu.memory_space<hbm>> -> memref<16x1024xf32, #tpu.memory_space<hbm>>
      %dma_wait3A_330 = arith.constant 0 : i32
      %dma_wait3A_331 = arith.constant 0 : i32
      %dma_wait3A_332 = tpu.memref_slice %arg6[%dma_wait3A_330, %dma_wait3A_331] : memref<204800x1024xf32, #tpu.memory_space<hbm>> -> memref<16x1024xf32, #tpu.memory_space<hbm>>
      tpu.wait_dma2 semaphore(%arg24 : memref<!tpu.dma_semaphore, #tpu.memory_space<semaphore_mem>>) src(%arg13 : memref<16x1024xf32, #tpu.memory_space<vmem>>) dst(%dma_wait3A_332 : memref<16x1024xf32, #tpu.memory_space<hbm>>)
      %add3A_333 = arith.constant 4 : i32
      %add3A_334 = arith.addi %add3A_314, %add3A_333 : i32
      %mul3A_335 = arith.constant 16 : i32
      %mul3A_336 = arith.muli %add3A_334, %mul3A_335 : i32
      %dma_start3A_337 = tpu.memref_slice %arg8[%mul3A_336] : memref<6400xi32, #tpu.memory_space<vmem>> -> memref<16xi32, #tpu.memory_space<vmem>>
      %dma_start3A_338 = arith.constant 0 : i32
      %dma_start3A_339 = arith.constant 0 : i32
      %dma_start3A_340 = tpu.memref_slice %arg4[%dma_start3A_338, %dma_start3A_339] : memref<1000x1024xf32, #tpu.memory_space<hbm>> -> memref<1000x1024xf32, #tpu.memory_space<hbm>>
      tpu.enqueue_indirect_dma source(%dma_start3A_340 : memref<1000x1024xf32, #tpu.memory_space<hbm>>) target(%arg13 : memref<16x1024xf32, #tpu.memory_space<vmem>>) offsets(%dma_start3A_337 : memref<16xi32, #tpu.memory_space<vmem>>) semaphore(%arg19 : memref<!tpu.dma_semaphore, #tpu.memory_space<semaphore_mem>>)
      %mul3A_341 = arith.constant 5 : i32
      %mul3A_342 = arith.muli %scan3A_250, %mul3A_341 : i32
      %add3A_343 = arith.constant 3 : i32
      %add3A_344 = arith.addi %mul3A_342, %add3A_343 : i32
      %dma_wait3A_345 = arith.constant 0 : i32
      %dma_wait3A_346 = tpu.memref_slice %arg8[%dma_wait3A_345] : memref<6400xi32, #tpu.memory_space<vmem>> -> memref<16xi32, #tpu.memory_space<vmem>>
      %dma_wait3A_347 = arith.constant 0 : i32
      %dma_wait3A_348 = arith.constant 0 : i32
      %dma_wait3A_349 = tpu.memref_slice %arg4[%dma_wait3A_347, %dma_wait3A_348] : memref<1000x1024xf32, #tpu.memory_space<hbm>> -> memref<1000x1024xf32, #tpu.memory_space<hbm>>
      tpu.wait_indirect_dma semaphore(%arg21 : memref<!tpu.dma_semaphore, #tpu.memory_space<semaphore_mem>>) src(%dma_wait3A_349 : memref<1000x1024xf32, #tpu.memory_space<hbm>>) dst(%arg15 : memref<16x1024xf32, #tpu.memory_space<vmem>>)
      %mul3A_350 = arith.constant 16 : i32
      %mul3A_351 = arith.muli %add3A_344, %mul3A_350 : i32
      %add3A_352 = arith.addi %mul3A_2, %mul3A_351 : i32
      %dma_start3A_353 = arith.constant 0 : i32
      %dma_start3A_354 = tpu.memref_slice %arg6[%add3A_352, %dma_start3A_353] : memref<204800x1024xf32, #tpu.memory_space<hbm>> -> memref<16x1024xf32, #tpu.memory_space<hbm>>
      %dma_start3A_355 = arith.constant 0 : i32
      %dma_start3A_356 = tpu.memref_slice %arg6[%add3A_352, %dma_start3A_355] : memref<204800x1024xf32, #tpu.memory_space<hbm>> -> memref<16x1024xf32, #tpu.memory_space<hbm>>
      tpu.enqueue_dma source(%arg15 : memref<16x1024xf32, #tpu.memory_space<vmem>>) target(%dma_start3A_356 : memref<16x1024xf32, #tpu.memory_space<hbm>>) target_semaphore(%arg26 : memref<!tpu.dma_semaphore, #tpu.memory_space<semaphore_mem>>)
      %dma_wait3A_357 = arith.constant 0 : i32
      %dma_wait3A_358 = arith.constant 0 : i32
      %dma_wait3A_359 = tpu.memref_slice %arg6[%dma_wait3A_357, %dma_wait3A_358] : memref<204800x1024xf32, #tpu.memory_space<hbm>> -> memref<16x1024xf32, #tpu.memory_space<hbm>>
      %dma_wait3A_360 = arith.constant 0 : i32
      %dma_wait3A_361 = arith.constant 0 : i32
      %dma_wait3A_362 = tpu.memref_slice %arg6[%dma_wait3A_360, %dma_wait3A_361] : memref<204800x1024xf32, #tpu.memory_space<hbm>> -> memref<16x1024xf32, #tpu.memory_space<hbm>>
      tpu.wait_dma2 semaphore(%arg25 : memref<!tpu.dma_semaphore, #tpu.memory_space<semaphore_mem>>) src(%arg14 : memref<16x1024xf32, #tpu.memory_space<vmem>>) dst(%dma_wait3A_362 : memref<16x1024xf32, #tpu.memory_space<hbm>>)
      %add3A_363 = arith.constant 4 : i32
      %add3A_364 = arith.addi %add3A_344, %add3A_363 : i32
      %mul3A_365 = arith.constant 16 : i32
      %mul3A_366 = arith.muli %add3A_364, %mul3A_365 : i32
      %dma_start3A_367 = tpu.memref_slice %arg8[%mul3A_366] : memref<6400xi32, #tpu.memory_space<vmem>> -> memref<16xi32, #tpu.memory_space<vmem>>
      %dma_start3A_368 = arith.constant 0 : i32
      %dma_start3A_369 = arith.constant 0 : i32
      %dma_start3A_370 = tpu.memref_slice %arg4[%dma_start3A_368, %dma_start3A_369] : memref<1000x1024xf32, #tpu.memory_space<hbm>> -> memref<1000x1024xf32, #tpu.memory_space<hbm>>
      tpu.enqueue_indirect_dma source(%dma_start3A_370 : memref<1000x1024xf32, #tpu.memory_space<hbm>>) target(%arg14 : memref<16x1024xf32, #tpu.memory_space<vmem>>) offsets(%dma_start3A_367 : memref<16xi32, #tpu.memory_space<vmem>>) semaphore(%arg20 : memref<!tpu.dma_semaphore, #tpu.memory_space<semaphore_mem>>)
      %mul3A_371 = arith.constant 5 : i32
      %mul3A_372 = arith.muli %scan3A_250, %mul3A_371 : i32
      %add3A_373 = arith.constant 4 : i32
      %add3A_374 = arith.addi %mul3A_372, %add3A_373 : i32
      %dma_wait3A_375 = arith.constant 0 : i32
      %dma_wait3A_376 = tpu.memref_slice %arg8[%dma_wait3A_375] : memref<6400xi32, #tpu.memory_space<vmem>> -> memref<16xi32, #tpu.memory_space<vmem>>
      %dma_wait3A_377 = arith.constant 0 : i32
      %dma_wait3A_378 = arith.constant 0 : i32
      %dma_wait3A_379 = tpu.memref_slice %arg4[%dma_wait3A_377, %dma_wait3A_378] : memref<1000x1024xf32, #tpu.memory_space<hbm>> -> memref<1000x1024xf32, #tpu.memory_space<hbm>>
      tpu.wait_indirect_dma semaphore(%arg22 : memref<!tpu.dma_semaphore, #tpu.memory_space<semaphore_mem>>) src(%dma_wait3A_379 : memref<1000x1024xf32, #tpu.memory_space<hbm>>) dst(%arg16 : memref<16x1024xf32, #tpu.memory_space<vmem>>)
      %mul3A_380 = arith.constant 16 : i32
      %mul3A_381 = arith.muli %add3A_374, %mul3A_380 : i32
      %add3A_382 = arith.addi %mul3A_2, %mul3A_381 : i32
      %dma_start3A_383 = arith.constant 0 : i32
      %dma_start3A_384 = tpu.memref_slice %arg6[%add3A_382, %dma_start3A_383] : memref<204800x1024xf32, #tpu.memory_space<hbm>> -> memref<16x1024xf32, #tpu.memory_space<hbm>>
      %dma_start3A_385 = arith.constant 0 : i32
      %dma_start3A_386 = tpu.memref_slice %arg6[%add3A_382, %dma_start3A_385] : memref<204800x1024xf32, #tpu.memory_space<hbm>> -> memref<16x1024xf32, #tpu.memory_space<hbm>>
      tpu.enqueue_dma source(%arg16 : memref<16x1024xf32, #tpu.memory_space<vmem>>) target(%dma_start3A_386 : memref<16x1024xf32, #tpu.memory_space<hbm>>) target_semaphore(%arg27 : memref<!tpu.dma_semaphore, #tpu.memory_space<semaphore_mem>>)
      %dma_wait3A_387 = arith.constant 0 : i32
      %dma_wait3A_388 = arith.constant 0 : i32
      %dma_wait3A_389 = tpu.memref_slice %arg6[%dma_wait3A_387, %dma_wait3A_388] : memref<204800x1024xf32, #tpu.memory_space<hbm>> -> memref<16x1024xf32, #tpu.memory_space<hbm>>
      %dma_wait3A_390 = arith.constant 0 : i32
      %dma_wait3A_391 = arith.constant 0 : i32
      %dma_wait3A_392 = tpu.memref_slice %arg6[%dma_wait3A_390, %dma_wait3A_391] : memref<204800x1024xf32, #tpu.memory_space<hbm>> -> memref<16x1024xf32, #tpu.memory_space<hbm>>
      tpu.wait_dma2 semaphore(%arg26 : memref<!tpu.dma_semaphore, #tpu.memory_space<semaphore_mem>>) src(%arg15 : memref<16x1024xf32, #tpu.memory_space<vmem>>) dst(%dma_wait3A_392 : memref<16x1024xf32, #tpu.memory_space<hbm>>)
      %add3A_393 = arith.constant 4 : i32
      %add3A_394 = arith.addi %add3A_374, %add3A_393 : i32
      %mul3A_395 = arith.constant 16 : i32
      %mul3A_396 = arith.muli %add3A_394, %mul3A_395 : i32
      %dma_start3A_397 = tpu.memref_slice %arg8[%mul3A_396] : memref<6400xi32, #tpu.memory_space<vmem>> -> memref<16xi32, #tpu.memory_space<vmem>>
      %dma_start3A_398 = arith.constant 0 : i32
      %dma_start3A_399 = arith.constant 0 : i32
      %dma_start3A_400 = tpu.memref_slice %arg4[%dma_start3A_398, %dma_start3A_399] : memref<1000x1024xf32, #tpu.memory_space<hbm>> -> memref<1000x1024xf32, #tpu.memory_space<hbm>>
      tpu.enqueue_indirect_dma source(%dma_start3A_400 : memref<1000x1024xf32, #tpu.memory_space<hbm>>) target(%arg15 : memref<16x1024xf32, #tpu.memory_space<vmem>>) offsets(%dma_start3A_397 : memref<16xi32, #tpu.memory_space<vmem>>) semaphore(%arg21 : memref<!tpu.dma_semaphore, #tpu.memory_space<semaphore_mem>>)
    }
    %scan3A_135 = arith.constant 78 : i32
    %dma_wait3A_136 = arith.constant 0 : i32
    %dma_wait3A_137 = tpu.memref_slice %arg8[%dma_wait3A_136] : memref<6400xi32, #tpu.memory_space<vmem>> -> memref<16xi32, #tpu.memory_space<vmem>>
    %dma_wait3A_138 = arith.constant 0 : i32
    %dma_wait3A_139 = arith.constant 0 : i32
    %dma_wait3A_140 = tpu.memref_slice %arg4[%dma_wait3A_138, %dma_wait3A_139] : memref<1000x1024xf32, #tpu.memory_space<hbm>> -> memref<1000x1024xf32, #tpu.memory_space<hbm>>
    tpu.wait_indirect_dma semaphore(%arg18 : memref<!tpu.dma_semaphore, #tpu.memory_space<semaphore_mem>>) src(%dma_wait3A_140 : memref<1000x1024xf32, #tpu.memory_space<hbm>>) dst(%arg12 : memref<16x1024xf32, #tpu.memory_space<vmem>>)
    %add3A_141 = arith.constant 6320 : i32
    %add3A_142 = arith.addi %mul3A_2, %add3A_141 : i32
    %dma_start3A_143 = arith.constant 0 : i32
    %dma_start3A_144 = tpu.memref_slice %arg6[%add3A_142, %dma_start3A_143] : memref<204800x1024xf32, #tpu.memory_space<hbm>> -> memref<16x1024xf32, #tpu.memory_space<hbm>>
    %dma_start3A_145 = arith.constant 0 : i32
    %dma_start3A_146 = tpu.memref_slice %arg6[%add3A_142, %dma_start3A_145] : memref<204800x1024xf32, #tpu.memory_space<hbm>> -> memref<16x1024xf32, #tpu.memory_space<hbm>>
    tpu.enqueue_dma source(%arg12 : memref<16x1024xf32, #tpu.memory_space<vmem>>) target(%dma_start3A_146 : memref<16x1024xf32, #tpu.memory_space<hbm>>) target_semaphore(%arg23 : memref<!tpu.dma_semaphore, #tpu.memory_space<semaphore_mem>>)
    %dma_wait3A_147 = arith.constant 0 : i32
    %dma_wait3A_148 = arith.constant 0 : i32
    %dma_wait3A_149 = tpu.memref_slice %arg6[%dma_wait3A_147, %dma_wait3A_148] : memref<204800x1024xf32, #tpu.memory_space<hbm>> -> memref<16x1024xf32, #tpu.memory_space<hbm>>
    %dma_wait3A_150 = arith.constant 0 : i32
    %dma_wait3A_151 = arith.constant 0 : i32
    %dma_wait3A_152 = tpu.memref_slice %arg6[%dma_wait3A_150, %dma_wait3A_151] : memref<204800x1024xf32, #tpu.memory_space<hbm>> -> memref<16x1024xf32, #tpu.memory_space<hbm>>
    tpu.wait_dma2 semaphore(%arg27 : memref<!tpu.dma_semaphore, #tpu.memory_space<semaphore_mem>>) src(%arg16 : memref<16x1024xf32, #tpu.memory_space<vmem>>) dst(%dma_wait3A_152 : memref<16x1024xf32, #tpu.memory_space<hbm>>)
    %dma_start3A_153 = arith.constant 6384 : i32
    %dma_start3A_154 = tpu.memref_slice %arg8[%dma_start3A_153] : memref<6400xi32, #tpu.memory_space<vmem>> -> memref<16xi32, #tpu.memory_space<vmem>>
    %dma_start3A_155 = arith.constant 0 : i32
    %dma_start3A_156 = arith.constant 0 : i32
    %dma_start3A_157 = tpu.memref_slice %arg4[%dma_start3A_155, %dma_start3A_156] : memref<1000x1024xf32, #tpu.memory_space<hbm>> -> memref<1000x1024xf32, #tpu.memory_space<hbm>>
    tpu.enqueue_indirect_dma source(%dma_start3A_157 : memref<1000x1024xf32, #tpu.memory_space<hbm>>) target(%arg16 : memref<16x1024xf32, #tpu.memory_space<vmem>>) offsets(%dma_start3A_154 : memref<16xi32, #tpu.memory_space<vmem>>) semaphore(%arg22 : memref<!tpu.dma_semaphore, #tpu.memory_space<semaphore_mem>>)
    %dma_wait3A_158 = arith.constant 0 : i32
    %dma_wait3A_159 = tpu.memref_slice %arg8[%dma_wait3A_158] : memref<6400xi32, #tpu.memory_space<vmem>> -> memref<16xi32, #tpu.memory_space<vmem>>
    %dma_wait3A_160 = arith.constant 0 : i32
    %dma_wait3A_161 = arith.constant 0 : i32
    %dma_wait3A_162 = tpu.memref_slice %arg4[%dma_wait3A_160, %dma_wait3A_161] : memref<1000x1024xf32, #tpu.memory_space<hbm>> -> memref<1000x1024xf32, #tpu.memory_space<hbm>>
    tpu.wait_indirect_dma semaphore(%arg19 : memref<!tpu.dma_semaphore, #tpu.memory_space<semaphore_mem>>) src(%dma_wait3A_162 : memref<1000x1024xf32, #tpu.memory_space<hbm>>) dst(%arg13 : memref<16x1024xf32, #tpu.memory_space<vmem>>)
    %add3A_163 = arith.constant 6336 : i32
    %add3A_164 = arith.addi %mul3A_2, %add3A_163 : i32
    %dma_start3A_165 = arith.constant 0 : i32
    %dma_start3A_166 = tpu.memref_slice %arg6[%add3A_164, %dma_start3A_165] : memref<204800x1024xf32, #tpu.memory_space<hbm>> -> memref<16x1024xf32, #tpu.memory_space<hbm>>
    %dma_start3A_167 = arith.constant 0 : i32
    %dma_start3A_168 = tpu.memref_slice %arg6[%add3A_164, %dma_start3A_167] : memref<204800x1024xf32, #tpu.memory_space<hbm>> -> memref<16x1024xf32, #tpu.memory_space<hbm>>
    tpu.enqueue_dma source(%arg13 : memref<16x1024xf32, #tpu.memory_space<vmem>>) target(%dma_start3A_168 : memref<16x1024xf32, #tpu.memory_space<hbm>>) target_semaphore(%arg24 : memref<!tpu.dma_semaphore, #tpu.memory_space<semaphore_mem>>)
    %dma_wait3A_169 = arith.constant 0 : i32
    %dma_wait3A_170 = tpu.memref_slice %arg8[%dma_wait3A_169] : memref<6400xi32, #tpu.memory_space<vmem>> -> memref<16xi32, #tpu.memory_space<vmem>>
    %dma_wait3A_171 = arith.constant 0 : i32
    %dma_wait3A_172 = arith.constant 0 : i32
    %dma_wait3A_173 = tpu.memref_slice %arg4[%dma_wait3A_171, %dma_wait3A_172] : memref<1000x1024xf32, #tpu.memory_space<hbm>> -> memref<1000x1024xf32, #tpu.memory_space<hbm>>
    tpu.wait_indirect_dma semaphore(%arg20 : memref<!tpu.dma_semaphore, #tpu.memory_space<semaphore_mem>>) src(%dma_wait3A_173 : memref<1000x1024xf32, #tpu.memory_space<hbm>>) dst(%arg14 : memref<16x1024xf32, #tpu.memory_space<vmem>>)
    %add3A_174 = arith.constant 6352 : i32
    %add3A_175 = arith.addi %mul3A_2, %add3A_174 : i32
    %dma_start3A_176 = arith.constant 0 : i32
    %dma_start3A_177 = tpu.memref_slice %arg6[%add3A_175, %dma_start3A_176] : memref<204800x1024xf32, #tpu.memory_space<hbm>> -> memref<16x1024xf32, #tpu.memory_space<hbm>>
    %dma_start3A_178 = arith.constant 0 : i32
    %dma_start3A_179 = tpu.memref_slice %arg6[%add3A_175, %dma_start3A_178] : memref<204800x1024xf32, #tpu.memory_space<hbm>> -> memref<16x1024xf32, #tpu.memory_space<hbm>>
    tpu.enqueue_dma source(%arg14 : memref<16x1024xf32, #tpu.memory_space<vmem>>) target(%dma_start3A_179 : memref<16x1024xf32, #tpu.memory_space<hbm>>) target_semaphore(%arg25 : memref<!tpu.dma_semaphore, #tpu.memory_space<semaphore_mem>>)
    %dma_wait3A_180 = arith.constant 0 : i32
    %dma_wait3A_181 = tpu.memref_slice %arg8[%dma_wait3A_180] : memref<6400xi32, #tpu.memory_space<vmem>> -> memref<16xi32, #tpu.memory_space<vmem>>
    %dma_wait3A_182 = arith.constant 0 : i32
    %dma_wait3A_183 = arith.constant 0 : i32
    %dma_wait3A_184 = tpu.memref_slice %arg4[%dma_wait3A_182, %dma_wait3A_183] : memref<1000x1024xf32, #tpu.memory_space<hbm>> -> memref<1000x1024xf32, #tpu.memory_space<hbm>>
    tpu.wait_indirect_dma semaphore(%arg21 : memref<!tpu.dma_semaphore, #tpu.memory_space<semaphore_mem>>) src(%dma_wait3A_184 : memref<1000x1024xf32, #tpu.memory_space<hbm>>) dst(%arg15 : memref<16x1024xf32, #tpu.memory_space<vmem>>)
    %add3A_185 = arith.constant 6368 : i32
    %add3A_186 = arith.addi %mul3A_2, %add3A_185 : i32
    %dma_start3A_187 = arith.constant 0 : i32
    %dma_start3A_188 = tpu.memref_slice %arg6[%add3A_186, %dma_start3A_187] : memref<204800x1024xf32, #tpu.memory_space<hbm>> -> memref<16x1024xf32, #tpu.memory_space<hbm>>
    %dma_start3A_189 = arith.constant 0 : i32
    %dma_start3A_190 = tpu.memref_slice %arg6[%add3A_186, %dma_start3A_189] : memref<204800x1024xf32, #tpu.memory_space<hbm>> -> memref<16x1024xf32, #tpu.memory_space<hbm>>
    tpu.enqueue_dma source(%arg15 : memref<16x1024xf32, #tpu.memory_space<vmem>>) target(%dma_start3A_190 : memref<16x1024xf32, #tpu.memory_space<hbm>>) target_semaphore(%arg26 : memref<!tpu.dma_semaphore, #tpu.memory_space<semaphore_mem>>)
    %dma_wait3A_191 = arith.constant 0 : i32
    %dma_wait3A_192 = tpu.memref_slice %arg8[%dma_wait3A_191] : memref<6400xi32, #tpu.memory_space<vmem>> -> memref<16xi32, #tpu.memory_space<vmem>>
    %dma_wait3A_193 = arith.constant 0 : i32
    %dma_wait3A_194 = arith.constant 0 : i32
    %dma_wait3A_195 = tpu.memref_slice %arg4[%dma_wait3A_193, %dma_wait3A_194] : memref<1000x1024xf32, #tpu.memory_space<hbm>> -> memref<1000x1024xf32, #tpu.memory_space<hbm>>
    tpu.wait_indirect_dma semaphore(%arg22 : memref<!tpu.dma_semaphore, #tpu.memory_space<semaphore_mem>>) src(%dma_wait3A_195 : memref<1000x1024xf32, #tpu.memory_space<hbm>>) dst(%arg16 : memref<16x1024xf32, #tpu.memory_space<vmem>>)
    %add3A_196 = arith.constant 6384 : i32
    %add3A_197 = arith.addi %mul3A_2, %add3A_196 : i32
    %dma_start3A_198 = arith.constant 0 : i32
    %dma_start3A_199 = tpu.memref_slice %arg6[%add3A_197, %dma_start3A_198] : memref<204800x1024xf32, #tpu.memory_space<hbm>> -> memref<16x1024xf32, #tpu.memory_space<hbm>>
    %dma_start3A_200 = arith.constant 0 : i32
    %dma_start3A_201 = tpu.memref_slice %arg6[%add3A_197, %dma_start3A_200] : memref<204800x1024xf32, #tpu.memory_space<hbm>> -> memref<16x1024xf32, #tpu.memory_space<hbm>>
    tpu.enqueue_dma source(%arg16 : memref<16x1024xf32, #tpu.memory_space<vmem>>) target(%dma_start3A_201 : memref<16x1024xf32, #tpu.memory_space<hbm>>) target_semaphore(%arg27 : memref<!tpu.dma_semaphore, #tpu.memory_space<semaphore_mem>>)
    %dma_wait3A_202 = arith.constant 0 : i32
    %dma_wait3A_203 = arith.constant 0 : i32
    %dma_wait3A_204 = tpu.memref_slice %arg6[%dma_wait3A_202, %dma_wait3A_203] : memref<204800x1024xf32, #tpu.memory_space<hbm>> -> memref<16x1024xf32, #tpu.memory_space<hbm>>
    %dma_wait3A_205 = arith.constant 0 : i32
    %dma_wait3A_206 = arith.constant 0 : i32
    %dma_wait3A_207 = tpu.memref_slice %arg6[%dma_wait3A_205, %dma_wait3A_206] : memref<204800x1024xf32, #tpu.memory_space<hbm>> -> memref<16x1024xf32, #tpu.memory_space<hbm>>
    tpu.wait_dma2 semaphore(%arg23 : memref<!tpu.dma_semaphore, #tpu.memory_space<semaphore_mem>>) src(%arg12 : memref<16x1024xf32, #tpu.memory_space<vmem>>) dst(%dma_wait3A_207 : memref<16x1024xf32, #tpu.memory_space<hbm>>)
    %dma_wait3A_208 = arith.constant 0 : i32
    %dma_wait3A_209 = arith.constant 0 : i32
    %dma_wait3A_210 = tpu.memref_slice %arg6[%dma_wait3A_208, %dma_wait3A_209] : memref<204800x1024xf32, #tpu.memory_space<hbm>> -> memref<16x1024xf32, #tpu.memory_space<hbm>>
    %dma_wait3A_211 = arith.constant 0 : i32
    %dma_wait3A_212 = arith.constant 0 : i32
    %dma_wait3A_213 = tpu.memref_slice %arg6[%dma_wait3A_211, %dma_wait3A_212] : memref<204800x1024xf32, #tpu.memory_space<hbm>> -> memref<16x1024xf32, #tpu.memory_space<hbm>>
    tpu.wait_dma2 semaphore(%arg24 : memref<!tpu.dma_semaphore, #tpu.memory_space<semaphore_mem>>) src(%arg13 : memref<16x1024xf32, #tpu.memory_space<vmem>>) dst(%dma_wait3A_213 : memref<16x1024xf32, #tpu.memory_space<hbm>>)
    %dma_wait3A_214 = arith.constant 0 : i32
    %dma_wait3A_215 = arith.constant 0 : i32
    %dma_wait3A_216 = tpu.memref_slice %arg6[%dma_wait3A_214, %dma_wait3A_215] : memref<204800x1024xf32, #tpu.memory_space<hbm>> -> memref<16x1024xf32, #tpu.memory_space<hbm>>
    %dma_wait3A_217 = arith.constant 0 : i32
    %dma_wait3A_218 = arith.constant 0 : i32
    %dma_wait3A_219 = tpu.memref_slice %arg6[%dma_wait3A_217, %dma_wait3A_218] : memref<204800x1024xf32, #tpu.memory_space<hbm>> -> memref<16x1024xf32, #tpu.memory_space<hbm>>
    tpu.wait_dma2 semaphore(%arg25 : memref<!tpu.dma_semaphore, #tpu.memory_space<semaphore_mem>>) src(%arg14 : memref<16x1024xf32, #tpu.memory_space<vmem>>) dst(%dma_wait3A_219 : memref<16x1024xf32, #tpu.memory_space<hbm>>)
    %dma_wait3A_220 = arith.constant 0 : i32
    %dma_wait3A_221 = arith.constant 0 : i32
    %dma_wait3A_222 = tpu.memref_slice %arg6[%dma_wait3A_220, %dma_wait3A_221] : memref<204800x1024xf32, #tpu.memory_space<hbm>> -> memref<16x1024xf32, #tpu.memory_space<hbm>>
    %dma_wait3A_223 = arith.constant 0 : i32
    %dma_wait3A_224 = arith.constant 0 : i32
    %dma_wait3A_225 = tpu.memref_slice %arg6[%dma_wait3A_223, %dma_wait3A_224] : memref<204800x1024xf32, #tpu.memory_space<hbm>> -> memref<16x1024xf32, #tpu.memory_space<hbm>>
    tpu.wait_dma2 semaphore(%arg26 : memref<!tpu.dma_semaphore, #tpu.memory_space<semaphore_mem>>) src(%arg15 : memref<16x1024xf32, #tpu.memory_space<vmem>>) dst(%dma_wait3A_225 : memref<16x1024xf32, #tpu.memory_space<hbm>>)
    %dma_wait3A_226 = arith.constant 0 : i32
    %dma_wait3A_227 = arith.constant 0 : i32
    %dma_wait3A_228 = tpu.memref_slice %arg6[%dma_wait3A_226, %dma_wait3A_227] : memref<204800x1024xf32, #tpu.memory_space<hbm>> -> memref<16x1024xf32, #tpu.memory_space<hbm>>
    %dma_wait3A_229 = arith.constant 0 : i32
    %dma_wait3A_230 = arith.constant 0 : i32
    %dma_wait3A_231 = tpu.memref_slice %arg6[%dma_wait3A_229, %dma_wait3A_230] : memref<204800x1024xf32, #tpu.memory_space<hbm>> -> memref<16x1024xf32, #tpu.memory_space<hbm>>
    tpu.wait_dma2 semaphore(%arg27 : memref<!tpu.dma_semaphore, #tpu.memory_space<semaphore_mem>>) src(%arg16 : memref<16x1024xf32, #tpu.memory_space<vmem>>) dst(%dma_wait3A_231 : memref<16x1024xf32, #tpu.memory_space<hbm>>)
    %scan3A_232 = arith.constant 0 : i32
    %scan3A_233 = arith.constant 0 : i32
    %scan3A_234 = arith.constant 50 : i32
    %scan3A_235 = arith.addi %scan3A_233, %scan3A_234 : i32
    %scan3A_236 = arith.constant 1 : i32
    scf.for %scan3A_250 = %scan3A_233 to %scan3A_235 step %scan3A_236  : i32 {
      %mul3A_251 = arith.constant 128 : i32
      %mul3A_252 = arith.muli %scan3A_250, %mul3A_251 : i32
      %dma_wait3A_253 = tpu.memref_slice %arg10[%mul3A_252] : memref<6400xf32, #tpu.memory_space<vmem>> -> memref<128xf32, #tpu.memory_space<vmem>>
      %dma_wait3A_254 = tpu.memref_slice %arg8[%mul3A_252] : memref<6400xi32, #tpu.memory_space<vmem>> -> memref<128xi32, #tpu.memory_space<vmem>>
      %dma_wait3A_255 = arith.constant 0 : i32
      %dma_wait3A_256 = tpu.memref_slice %arg5[%dma_wait3A_255] : memref<1001024xf32, #tpu.memory_space<hbm>> -> memref<1001024xf32, #tpu.memory_space<hbm>>
      tpu.wait_indirect_dma semaphore(%arg28 : memref<!tpu.dma_semaphore, #tpu.memory_space<semaphore_mem>>) src(%dma_wait3A_256 : memref<1001024xf32, #tpu.memory_space<hbm>>) dst(%dma_wait3A_253 : memref<128xf32, #tpu.memory_space<vmem>>)
      %dma_wait3A_257 = tpu.memref_slice %arg11[%mul3A_252] : memref<6400xf32, #tpu.memory_space<vmem>> -> memref<128xf32, #tpu.memory_space<vmem>>
      %dma_wait3A_258 = tpu.memref_slice %arg9[%mul3A_252] : memref<6400xi32, #tpu.memory_space<vmem>> -> memref<128xi32, #tpu.memory_space<vmem>>
      %dma_wait3A_259 = arith.constant 0 : i32
      %dma_wait3A_260 = tpu.memref_slice %arg5[%dma_wait3A_259] : memref<1001024xf32, #tpu.memory_space<hbm>> -> memref<1001024xf32, #tpu.memory_space<hbm>>
      tpu.wait_indirect_dma semaphore(%arg28 : memref<!tpu.dma_semaphore, #tpu.memory_space<semaphore_mem>>) src(%dma_wait3A_260 : memref<1001024xf32, #tpu.memory_space<hbm>>) dst(%dma_wait3A_257 : memref<128xf32, #tpu.memory_space<vmem>>)
    }
    %scan3A_237 = arith.constant 50 : i32
    %broadcast_in_dim3A = arith.constant 0.000000e+00 : f32
    %broadcast_in_dim3A_238 = vector.broadcast %broadcast_in_dim3A : f32 to vector<16xf32>
    %scan3A_239 = arith.constant 0 : i32
    %scan3A_240 = arith.constant 400 : i32
    %scan3A_241 = arith.addi %scan3A_239, %scan3A_240 : i32
    %scan3A_242 = arith.constant 1 : i32
    %scan3A_243 = scf.for %scan3A_250 = %scan3A_239 to %scan3A_241 step %scan3A_242 iter_args(%scan3A_251 = %broadcast_in_dim3A_238) -> (vector<16xf32>)  : i32 {
      %mul3A_252 = arith.constant 16 : i32
      %mul3A_253 = arith.muli %scan3A_250, %mul3A_252 : i32
      %get3A = arith.index_cast %mul3A_253 : i32 to index
      %get3A_254 = tpu.vector_load %arg10[%get3A] {strides = array<i32>} : memref<6400xf32, #tpu.memory_space<vmem>>, vector<16xf32>,
      %get3A_255 = vector.shape_cast %get3A_254 : vector<16xf32> to vector<16xf32>
      %get3A_256 = arith.index_cast %mul3A_253 : i32 to index
      %get3A_257 = tpu.vector_load %arg11[%get3A_256] {strides = array<i32>} : memref<6400xf32, #tpu.memory_space<vmem>>, vector<16xf32>,
      %get3A_258 = vector.shape_cast %get3A_257 : vector<16xf32> to vector<16xf32>
      %sub3A = arith.subf %get3A_255, %get3A_258 : vector<16xf32>
      %add3A_259 = arith.addf %scan3A_251, %sub3A : vector<16xf32>
      scf.yield %add3A_259 : vector<16xf32>
    }
    %scan3A_244 = arith.constant 400 : i32
    %swap3A = arith.constant 0 : index
    %swap3A_245 = tpu.vector_load %arg17[%swap3A] {strides = array<i32>} : memref<16xf32, #tpu.memory_space<vmem>>, vector<16xf32>,
    %swap3A_246 = vector.shape_cast %swap3A_245 : vector<16xf32> to vector<16xf32>
    %swap3A_247 = vector.shape_cast %scan3A_243 : vector<16xf32> to vector<16xf32>
    tpu.vector_store %arg17[%swap3A], %swap3A_247 {strides = array<i32>} : memref<16xf32, #tpu.memory_space<vmem>>, vector<16xf32>,
    %mul3A_248 = arith.constant 16 : i32
    %mul3A_249 = arith.muli %add3A, %mul3A_248 : i32
    "tpu.region"() ({
      %run_scoped3A = tpu.sem_alloc : memref<!tpu.dma_semaphore, #tpu.memory_space<semaphore_mem>>
      %dma_start3A_250 = tpu.memref_slice %arg7[%mul3A_249] : memref<512xf32, #tpu.memory_space<hbm>> -> memref<16xf32, #tpu.memory_space<hbm>>
      %dma_start3A_251 = tpu.memref_slice %arg7[%mul3A_249] : memref<512xf32, #tpu.memory_space<hbm>> -> memref<16xf32, #tpu.memory_space<hbm>>
      tpu.enqueue_dma source(%arg17 : memref<16xf32, #tpu.memory_space<vmem>>) target(%dma_start3A_251 : memref<16xf32, #tpu.memory_space<hbm>>) target_semaphore(%run_scoped3A : memref<!tpu.dma_semaphore, #tpu.memory_space<semaphore_mem>>)
      %dma_wait3A_252 = tpu.memref_slice %arg7[%mul3A_249] : memref<512xf32, #tpu.memory_space<hbm>> -> memref<16xf32, #tpu.memory_space<hbm>>
      %dma_wait3A_253 = tpu.memref_slice %arg7[%mul3A_249] : memref<512xf32, #tpu.memory_space<hbm>> -> memref<16xf32, #tpu.memory_space<hbm>>
      tpu.wait_dma2 semaphore(%run_scoped3A : memref<!tpu.dma_semaphore, #tpu.memory_space<semaphore_mem>>) src(%arg17 : memref<16xf32, #tpu.memory_space<vmem>>) dst(%dma_wait3A_253 : memref<16xf32, #tpu.memory_space<hbm>>)
      tpu.yield
    }) : () -> ()
    return
  }
}

</mosaic_0001>

<sc_bundles>
// kernel: _sc_gather_loss.3.cloned.1.call-start
scs
__scs_entry_jumppad:
0x0: {  	(pc) =	sbr.rel $0x88, $3  }
0x1: {  	(tag) =	ssettag $0x0;
	lr =	simm.s32 $0x1  }
0x2: {  	[smem:$0x3F9D] =	sst lr;
	_ =	strace $0xD0000000  }
0x3: {  	_ = 	snop  }
0x4: {  	_ = 	snop  }
0x5: {  	_ = 	snop  }
0x6: {  	_ = 	snop  }
0x7: {  	_ = 	snop  }
__scs_overlays_trampoline_lowered:
0x8: {  	[smem:$0x3FAC] =	sst s0  }
0x9: {  	[smem:$0x3FAD] =	sst s1  }
0xa: {  	[smem:$0x3FAE] =	sst s2  }
0xb: {  	[smem:$0x3FAF] =	sst s3  }
0xc: {  	[smem:$0x3FB0] =	sst s4  }
0xd: {  	[smem:$0x3FB1] =	sst s5  }
0xe: {  	[smem:$0x3FB2] =	sst s6  }
0xf: {  	[smem:$0x3FB3] =	sst s7  }
0x10: {  	[smem:$0x3FB4] =	sst s8  }
0x11: {  	[smem:$0x3FB5] =	sst s9;
	s0 =	simm.s32 @!p0 $0x0  }
0x12: {  	s1 =	sld [smem:$0x3F9B];
	s0 =	simm.s32 @p0 $0x1  }
0x13: {  	[smem:$0x3FB6] =	sst s0;
	s0 =	simm.s32 @!p1 $0x0  }
0x14: {  	s2 =	sld [smem:$0x3F9A];
	s0 =	simm.s32 @p1 $0x1  }
0x15: {  	[smem:$0x3FB7] =	sst s0;
	s0 =	simm.s32 @!p2 $0x0  }
0x16: {  	s3 =	sld [smem:$0x3FDB];
	s0 =	simm.s32 @p2 $0x1  }
0x17: {  	s4 =	simm.s32 $0x1BF5;
	[smem:$0x3FB9] =	sst s0  }
0x18: {  	s0 =	sld [smem:$0x3F9C];
	_ =	swait.ge [sflag:s4], $0x0  }
0x19: {  	s7 =	sld [smem:$0x3F9D]  }
0x1a: {  	s8 =	sadd.s32 $0xFFFFE003, lr  }
0x1b: {  	s9 =	sadd.s32 $0xFFFFFEF7, lr;
	s5 =	simm.s32 $0xFFFFFFFF;
	p2 =	slt.u32 s8, $0xFFFFF086  }
0x1c: {  	p1 =	slt.u32 s9, $0xF7A;
	s5 =	simm.s32 @!p2 $0x0  }
0x1d: {  	s5 =	simm.s32 @p1 $0x1;
	p0 =	seq.s32 s7, s2  }
0x1e: {  	s7 =	smul.u32 @!p0 $0xF7A, s2;
	p2 =	seq.s32 @!p0 s5, $0x0  }
0x1f: {  	s9 =	smul.u32 $0xF7A, s1;
	s8 =	simm.s32 @!p0 $0x1BF5;
	p2 =	por !p2, p0  }
0x20: {  	[sflag:s8] =	ssyncset.s32 @!p0 $0xFFFFF086;
	s6 =	sadd.s32 @!p0 s3, s7;
	s7 =	simm.s32 @!p0 $0x108  }
0x21: {  	s3 =	sadd.s32 s3, s9;
	s6 =	sadd.s32 @!p0 $0x88, s6;
	s7 =	simm.s32 @p2 $0x1082  }
0x22: {  	[simem:s7], [sflag:s8] =	dma.local @!p0 [hbm:s6], $0xF7A  }
0x23: {  	s9 =	sor.u32 $0xD0000000, s2;
	s6 =	simm.s32 $0x108;
	_ =	swait.ge @!p0 [sflag:s8], $0x0  }
0x24: {  	s3 =	sadd.s32 $0x88, s3;
	s6 =	simm.s32 @!p1 $0x1082;
	[sflag:s4] =	ssyncset.s32 $0xFFFFF086  }
0x25: {  	[simem:s6], [sflag:s4] =	dma.local [hbm:s3], $0xF7A  }
0x26: {  	[smem:$0x3F9D] =	sst s1;
	(tag) =	ssettag s2;
	_ =	strace s9  }
0x27: {  	s1 =	sld [smem:$0x3FAD]  }
0x28: {  	s2 =	sld [smem:$0x3FAE]  }
0x29: {  	s4 =	sld [smem:$0x3FB0]  }
0x2a: {  	p0 =	seq.s32 s5, $0x0;
	s5 =	sld [smem:$0x3FB1]  }
0x2b: {  	s6 =	sld [smem:$0x3FB2]  }
0x2c: {  	s7 =	sld [smem:$0x3FB3]  }
0x2d: {  	s3 =	simm.s32 $0x108;
	s8 =	sld [smem:$0x3FB4]  }
0x2e: {  	s3 =	simm.s32 @!p0 $0x1082;
	s9 =	sld [smem:$0x3FB5]  }
0x2f: {  	lr =	sadd.s32 s0, s3;
	s0 =	sld [smem:$0x3FAC]  }
0x30: {  	s3 =	sld [smem:$0x3FAF]  }
0x31: {  	[smem:$0x3FB8] =	sst s10  }
0x32: {  	s10 =	sld [smem:$0x3FB6];
	_ =	sdelay $0x3  }
0x33: {  	p0 =	seq.s32 s10, $0x1;
	s10 =	sld [smem:$0x3FB8];
	_ =	sdelay $0x3  }
0x34: {  	[smem:$0x3FB8] =	sst s10  }
0x35: {  	s10 =	sld [smem:$0x3FB7];
	_ =	sdelay $0x3  }
0x36: {  	p1 =	seq.s32 s10, $0x1;
	s10 =	sld [smem:$0x3FB8];
	_ =	sdelay $0x3  }
0x37: {  	[smem:$0x3FB8] =	sst s10  }
0x38: {  	s10 =	sld [smem:$0x3FB9]  }
0x39: {  	_ = 	snop;
	(pc) =	sbr.ind lr, $3  }
0x3a: {  	_ = 	snop  }
0x3b: {  	_ = 	snop  }
0x3c: {  	p2 =	seq.s32 s10, $0x1;
	s10 =	sld [smem:$0x3FB8]  }
0x3d: {  	_ =	shalt  }
0x3e: {  	_ =	shalt  }
0x3f: {  	_ =	shalt  }
0x40: {  	_ =	shalt  }
0x41: {  	_ =	shalt  }
0x42: {  	_ =	shalt  }
0x43: {  	_ =	shalt  }
0x44: {  	_ =	shalt  }
0x45: {  	_ =	shalt  }
0x46: {  	_ =	shalt  }
0x47: {  	_ =	shalt  }
0x48: {  	_ =	shalt  }
0x49: {  	_ =	shalt  }
0x4a: {  	_ =	shalt  }
0x4b: {  	_ =	shalt  }
0x4c: {  	_ =	shalt  }
0x4d: {  	_ =	shalt  }
0x4e: {  	_ =	shalt  }
0x4f: {  	_ =	shalt  }
0x50: {  	_ =	shalt  }
0x51: {  	_ =	shalt  }
0x52: {  	_ =	shalt  }
0x53: {  	_ =	shalt  }
0x54: {  	_ =	shalt  }
0x55: {  	_ =	shalt  }
0x56: {  	_ =	shalt  }
0x57: {  	_ =	shalt  }
0x58: {  	_ =	shalt  }
0x59: {  	_ =	shalt  }
0x5a: {  	_ =	shalt  }
0x5b: {  	_ =	shalt  }
0x5c: {  	_ =	shalt  }
0x5d: {  	_ =	shalt  }
0x5e: {  	_ =	shalt  }
0x5f: {  	_ =	shalt  }
0x60: {  	_ =	shalt  }
0x61: {  	_ =	shalt  }
0x62: {  	_ =	shalt  }
0x63: {  	_ =	shalt  }
0x64: {  	_ =	shalt  }
0x65: {  	_ =	shalt  }
0x66: {  	_ =	shalt  }
0x67: {  	_ =	shalt  }
0x68: {  	_ =	shalt  }
0x69: {  	_ =	shalt  }
0x6a: {  	_ =	shalt  }
0x6b: {  	_ =	shalt  }
0x6c: {  	_ =	shalt  }
0x6d: {  	_ =	shalt  }
0x6e: {  	_ =	shalt  }
0x6f: {  	_ =	shalt  }
0x70: {  	_ =	shalt  }
0x71: {  	_ =	shalt  }
0x72: {  	_ =	shalt  }
0x73: {  	_ =	shalt  }
0x74: {  	_ =	shalt  }
0x75: {  	_ =	shalt  }
0x76: {  	_ =	shalt  }
0x77: {  	_ =	shalt  }
0x78: {  	_ =	shalt  }
0x79: {  	_ =	shalt  }
0x7a: {  	_ =	shalt  }
0x7b: {  	_ =	shalt  }
0x7c: {  	_ =	shalt  }
0x7d: {  	_ =	shalt  }
0x7e: {  	_ =	shalt  }
0x7f: {  	_ =	shalt  }
0x80: {  	_ =	shalt  }
0x81: {  	_ =	shalt  }
0x82: {  	_ =	shalt  }
0x83: {  	_ =	shalt  }
0x84: {  	_ =	shalt  }
0x85: {  	_ =	shalt  }
0x86: {  	_ =	shalt  }
0x87: {  	_ =	shalt  }
.Lfunc_end0:
.L_simem_size_0:
called_computation_lowered:
.L_overlay_start_0:
0x88: {  	s2 =	sld [smem:$0x3FD9]  }
0x89: {  	s3 =	sld [smem:$0x3FFE];
	_ =	sdelay $0x1  }
0x8a: {  	s1 =	srdreg.scid  }
0x8b: {  	s0 =	sand.u32 $0x1, s1  }
0x8c: {  	s15 =	sshll.u32 s0, $0xA;
	s2 =	sadd.s32 s3, s2  }
0x8d: {  	s2 =	sadd.s32 s2, s15  }
0x8e: {  	[smem:$0x3FC4] =	sst s2  }
0x8f: {  	_ = 	snop  }
0x90: {  	s2 =	sld [smem:$0x3FC9]  }
0x91: {  	s16 =	sld [smem:$0x3FD0]  }
0x92: {  	s4 =	sld [smem:$0x3FC8]  }
0x93: {  	s5 =	sld [smem:$0x3FC7]  }
0x94: {  	s7 =	simm.s32 $0xA;
	s8 =	simm.s32 $0x10;
	s6 =	sld [smem:$0x3FC6]  }
0x95: {  	[smem:s8], [sflag:s7] =	dma.local [hbm:s16], $0x1  }
0x96: {  	_ =	swait.eq [sflag:s7], $0x1  }
0x97: {  	[sflag:s7] =	ssyncset.done $0x0  }
0x98: {  	s17 =	sld [smem:$0x10];
	[sflag:s7] =	ssyncadd.s32 $0xFFFFFFFF  }
0x99: {  	s18 =	sld [smem:$0x11];
	(tm) =	ssettm $0x1  }
0x9a: {  	s19 =	sld [smem:$0x3FFB];
	_ =	sdelay $0x3  }
0x9b: {  	_ =	strace s19  }
0x9c: {  	s8 =	sld [smem:$0x3FFC];
	_ =	sdelay $0x3  }
0x9d: {  	_ =	strace s8  }
0x9e: {  	s8 =	sld [smem:$0x3FFD];
	_ =	sdelay $0x3  }
0x9f: {  	_ =	strace s8  }
0xa0: {  	_ =	strace $0x8FFFFFFF  }
0xa1: {  	s20 =	sld [smem:$0x3FDB];
	_ =	sdelay $0x1  }
0xa2: {  	s9 =	simm.s32 $_scs_section_size  }
0xa3: {  	s10 =	simm.s32 $_size__tile_overlayer_lowered;
	s11 =	simm.s32 $_tile_overlayer_lowered  }
0xa4: {  	s23 =	simm.s32 $0x1BFF;
	s22 =	sshll.u32 s11, $0x1;
	s8 =	sadd.s32 s9, s20  }
0xa5: {  	s12 =	simm.s32 $0x0;
	s21 =	sshll.u32 s10, $0x1;
	s10 =	sadd.s32 s22, s8  }
0xa6: {  	[timem:s12], [sflag:s23] =	dma.local [hbm:s10], s21  }
0xa7: {  	_ =	swait.ge [sflag:s23], s21  }
0xa8: {  	s9 =	ssub.s32 $0x0, s21;
	[sflag:s23] =	ssyncset.done $0x0  }
0xa9: {  	[sflag:s23] =	ssyncadd.s32 s9;
	_ =	sdelay $0x1  }
0xaa: {  	s24 =	simm.s32 $0x1B8B  }
0xab: {  	_ =	swait.ge [sflag:s24], $0x1  }
0xac: {  	[sflag:s24] =	ssyncset.done $0x0  }
0xad: {  	s25 =	simm.s32 $0x1B8E;
	[sflag:s24] =	ssyncadd.s32 $0xFFFFFFFF  }
0xae: {  	s26 =	simm.s32 $execute0_lowered;
	[smem:$0x3FD2] =	sst s25  }
0xaf: {  	s9 =	sshll.u32 s26, $0x1;
	_ =	strace $0x80000046;
	[dreg:$0x1] =	wrdreg $0xFFFFFFFF  }
0xb0: {  	s28 =	simm.s32 $_size_execute0_lowered;
	s8 =	sadd.s32 s8, s9;
	[dreg:$0x0] =	wrdreg $0x0  }
0xb1: {  	s9 =	sshll.u32 s28, $0x1;
	[dreg:$0x2] =	wrdreg s8  }
0xb2: {  	[dreg:$0x3] =	wrdreg s9  }
0xb3: {  	[dreg:$0x4] =	wrdreg $0xC0  }
0xb4: {  	_ =	task [dreg:s12], $0x5FFFF  }
0xb5: {  	[dreg:$0x1] =	wrdreg $0xFFFFFFFF  }
0xb6: {  	[dreg:$0x0] =	wrdreg $0x60  }
0xb7: {  	[dreg:$0x2] =	wrdreg s2  }
0xb8: {  	[dreg:$0x3] =	wrdreg s4  }
0xb9: {  	[dreg:$0x4] =	wrdreg s5  }
0xba: {  	[dreg:$0x5] =	wrdreg s6  }
0xbb: {  	[dreg:$0x6] =	wrdreg s17  }
0xbc: {  	[dreg:$0x7] =	wrdreg s18  }
0xbd: {  	[dreg:$0x8] =	wrdreg $0x9  }
0xbe: {  	_ =	task.clear_ibuf [dreg:s12], $0x9FFFF;
	_ =	strace $0x90000046  }
0xbf: {  	s29 =	simm.s32 $0x9;
	_ =	strace $0x80000048  }
0xc0: {  	_ =	swait.ge [sflag:s29], $0x1  }
0xc1: {  	[sflag:s29] =	ssyncadd.s32 $0xFFFFFFFF  }
0xc2: {  	_ =	strace $0x90000048  }
0xc3: {  	_ =	sfence  }
0xc4: {  	s30 =	sld [smem:$0x0];
	_ =	sdelay $0x2  }
0xc5: {  	s31 =	sshll.u32 s1, $0xD;
	s1 =	sshrl.u32 s1, $0x2  }
0xc6: {  	s3 =	sand.u32 $0x4000, s31;
	s1 =	sadd.s32 s1, s30  }
0xc7: {  	s0 =	sor.u32 s3, s0;
	s1 =	sshll.u32 s1, $0x11  }
0xc8: {  	s0 =	sor.u32 s1, s0  }
0xc9: {  	s0 =	sadd.s32 $0x8F2B, s0  }
0xca: {  	[sflag:s0] =	ssyncadd.remote.s32 $0x1  }
0xcb: {  	_ =	sfence.sel $0xFFFF  }
0xcc: {  	[dreg:$0x0] =	wrdreg $0xFFFFFFFF;
	(pc) =	sbr.abs _section_cstart, $3  }
0xcd: {  	[dreg:$0x1] =	wrdreg $0xFFFFFFFF  }
0xce: {  	_ =	task.clear_ibuf [dreg:s12], $0x2FFFF;
	_ =	strace $0x9FFFFFFF  }
0xcf: {  	(tm) =	ssettm $0x7FFFFFFF  }
tec
execute0_lowered:
.L_overlay_start_1:
0x0: {  	(tag) =	ssettag $0x1  }
0x1: {  	s0 =	rddreg [dreg:$0x0]  }
0x2: {  	s3 =	rddreg [dreg:$0x1]  }
0x3: {  	s1 =	rddreg [dreg:$0x2]  }
0x4: {  	s2 =	rddreg [dreg:$0x3];
	s4 =	srdreg.scid  }
0x5: {  	s13 =	stileid.u32;
	s5 =	rddreg [dreg:$0x4]  }
0x6: {  	s10 =	rddreg [dreg:$0x5];
	s29 =	simm.s32 $0xAC00;
	s6 =	sand.u32 $0x1, s4  }
0x7: {  	s12 =	sshll.u32 s13, $0x1;
	s4 =	simm.s32 $0x0;
	s22 =	smul.u32 $0x190000, s13  }
0x8: {  	s11 =	sor.u32 s6, s12;
	s8 =	ssub.s32 $0x2, s6;
	s6 =	smul.u32 $0xC8000, s6  }
0x9: {  	s31 =	simm.s32 $0xC400;
	[smem:$0x7FF] =	sst s4;
	s7 =	smul.u32 $0x1900, s11  }
0xa: {  	s28 =	simm.s32 $0xD400;
	_ =	strace $0x80000047;
	s14 =	smul.u32 $0xC8000, s11  }
0xb: {  	s9 =	sshrl.u32 s8, $0x1;
	s15 =	smul.u32 $0x640000, s11;
	s25 =	sshll.u32 s11, $0x1  }
0xc: {  	s11 =	simm.s32 $0xA400;
	s12 =	ssub.s32 s8, s9;
	s8 =	sadd.s32 $0x200, s1  }
0xd: {  	s9 =	sadd.s32 $0x300, s1;
	s7 =	sshrl.u32 s7, $0x3;
	s14 =	sadd.s32 s5, s14  }
0xe: {  	s17 =	sshrl.u32 s15, $0x3;
	s26 =	smax.u32 s12, $0x1;
	[dreg:$0xa] =	wrdreg s14  }
0xf: {  	s12 =	simm.s32 $0xC;
	s0 =	sadd.s32 s0, s7;
	[dreg:$0x15] =	wrdreg s26  }
0x10: {  	s15 =	simm.s32 $0xDC00;
	s3 =	sadd.s32 s3, s7;
	[dreg:$0x8] =	wrdreg s0  }
0x11: {  	s7 =	sadd.s32 $0x100, s1;
	s16 =	sadd.s32 $0x1000, s14;
	[dreg:$0x9] =	wrdreg s3  }
0x12: {  	s18 =	sadd.s32 $0x1800, s14;
	s19 =	sadd.s32 $0x2000, s14;
	[dreg:$0xc] =	wrdreg s16  }
0x13: {  	s26 =	simm.s32 $0xBC00;
	s0 =	sadd.s32 $0x800, s14;
	[dreg:$0xd] =	wrdreg s18  }
0x14: {  	[dreg:$0xe] =	wrdreg s19;
	s3 =	sadd.s32 s22, s5;
	s14 =	simm.s32 $0x6C00  }
0x15: {  	[dreg:$0xb] =	wrdreg s0;
	s0 =	sadd.s32 s5, s17;
	s30 =	sadd.s32 s6, s3  }
0x16: {  	s18 =	simm.s32 $0x7400;
	s20 =	sadd.s32 $0xC5800, s0;
	[dreg:$0x7] =	wrdreg s30  }
0x17: {  	s22 =	simm.s32 $0xB400;
	s21 =	sadd.s32 $0xC6000, s0;
	[dreg:$0xf] =	wrdreg s20  }
0x18: {  	s19 =	simm.s32 $0xFC00;
	s23 =	sadd.s32 $0xC6800, s0;
	[dreg:$0x10] =	wrdreg s21  }
0x19: {  	s6 =	simm.s32 $0xE400;
	s24 =	sadd.s32 $0xC7000, s0;
	[dreg:$0x11] =	wrdreg s23  }
0x1a: {  	s17 =	simm.s32 $0xF400;
	s0 =	sadd.s32 $0xC7800, s0;
	[dreg:$0x12] =	wrdreg s24  }
0x1b: {  	v2 =	vlaneseq.u32;
	[dreg:$0x13] =	wrdreg s0;
	s0 =	sadd.s32 s10, s25;
	s24 =	simm.s32 $0x80  }
0x1c: {  	vm0 =	vmmov $0xffff;
	v1 =	vshrl.u32 v2, $0x3;
	s25 =	simm.s32 $0x6400;
	s20 =	simm.s32 $0xCC00;
	s21 =	simm.s32 $0xEC00  }
0x1d: {  	v0 =	vand.u32 $0x7, v2;
	v2 =	vor.u32 $0x8, v2;
	v1 =	vmul.u32 $0x8, v1;
	s10 =	simm.s32 $0x0;
	[dreg:$0x14] =	wrdreg s0;
	s0 =	simm.s32 $0xB  }
.LBB2_1:
0x1e: {  	[dreg:$0x16] =	wrdreg s10  }
0x1f: {  	s5 =	rddreg [dreg:$0x8]  }
0x20: {  	[tilespmem:s4], [sflag:$0xC] =	stream.linear.gather [hbm4b:s5+s4], $0x1900, $0x38;
	[tilespmem:$0x1A480] =	vst v63  }
0x21: {  	_ =	swait.ge [sflag:s12], $0x1900  }
0x22: {  	[sflag:s12] =	ssyncset.done $0x0  }
0x23: {  	s13 =	simm.s32 $0x1900;
	s16 =	rddreg [dreg:$0x9];
	[sflag:s12] =	ssyncadd.s32 $0xFFFFE700  }
0x24: {  	[tilespmem:s13], [sflag:$0xC] =	stream.linear.gather [hbm4b:s16+s4], $0x1900, $0x38;
	[tilespmem:$0x1A480] =	vst v63  }
0x25: {  	s23 =	simm.s32 $0x0;
	_ =	swait.ge [sflag:s12], $0x1900  }
0x26: {  	s30 =	simm.s32 $0x3200;
	s5 =	simm.s32 $0x200;
	[sflag:s12] =	ssyncset.done $0x0  }
0x27: {  	s13 =	simm.s32 $0x1900;
	[sflag:s12] =	ssyncadd.s32 $0xFFFFE700;
	s12 =	simm.s32 $0x4B00  }
0x28: {  	[tilespmem:s30], [sflag:$0xB] =	stream.indirect.gather [hbm4b:s2+s24], $0x1, s23, s24, $0xb8;
	[tilespmem:$0x1A480] =	vst v63  }
.LBB2_2:
0x29: {  	[tilespmem:s12], [sflag:$0xB] =	stream.indirect.gather [hbm4b:s2+s24], $0x1, s13, s24, $0xb8;
	[tilespmem:$0x1A480] =	vst v63  }
0x2a: {  	s12 =	smov.u32 s5;
	p0 =	sne.s32 s5, $0x6200  }
.Ltmp0:
0x2b: {  	s5 =	sadd.s32 $0x200, s5;
	(pc) =	sbr.rel @p0 .LBB2_2-.Ltmp0, $4  }
0x2c: {  	s13 =	sshra.s32 s12, $0x2  }
0x2d: {  	s12 =	sadd.s32 $0x3200, s13  }
0x2e: {  	[tilespmem:s12], [sflag:$0xB] =	stream.indirect.gather [hbm4b:s2+s24], $0x1, s13, s24, $0xb8;
	[tilespmem:$0x1A480] =	vst v63  }
0x2f: {  	s12 =	sadd.s32 $0x4B00, s13;
	s13 =	sadd.s32 $0x1900, s13  }
0x30: {  	[tilespmem:s12], [sflag:$0xB] =	stream.indirect.gather [hbm4b:s2+s24], $0x1, s13, s24, $0xb8;
	[tilespmem:$0x1A480] =	vst v63  }
0x31: {  	v3 =	vld [tilespmem:$0x0];
	_ =	sdelay $0x4  }
0x32: {  	v4 =	vshll.u32 v3, $0x3  }
0x33: {  	v3 =	vand.u32 $0x7, v3;
	v4 =	vand.u32 $0xFFFFFFC0, v4  }
0x34: {  	v3 =	vor.u32 v3, v4  }
0x35: {  	v4 =	vperm.xlane v3, v0;
	_ =	sdelay $0x1  }
0x36: {  	v4 =	vadd.s32 v1, v4;
	_ =	sdelay $0x3  }
0x37: {  	s5 =	simm.s32 $0x0  }
0x38: {  	[tilespmem:s25], [sflag:$0x1] =	stream.indirect_vreg.gather [hbm4b:s1+s5], $0x80, v4, vm0, $0xb8;
	[tilespmem:$0x1A480] =	vst v63  }
0x39: {  	v3 =	vperm.xlane v3, v2  }
0x3a: {  	[tilespmem:s14], [sflag:$0x1] =	stream.indirect_vreg.gather [hbm4b:s7+s5], $0x80, v4, vm0, $0xb8;
	[tilespmem:$0x1A480] =	vst v63  }
0x3b: {  	v3 =	vadd.s32 v1, v3  }
0x3c: {  	[tilespmem:s18], [sflag:$0x1] =	stream.indirect_vreg.gather [hbm4b:s8+s5], $0x80, v4, vm0, $0xb8;
	[tilespmem:$0x1A480] =	vst v63  }
0x3d: {  	s3 =	simm.s32 $0x7C00  }
0x3e: {  	[tilespmem:s3], [sflag:$0x1] =	stream.indirect_vreg.gather [hbm4b:s9+s5], $0x80, v4, vm0, $0xb8;
	[tilespmem:$0x1A480] =	vst v63  }
0x3f: {  	s30 =	simm.s32 $0x8400  }
0x40: {  	[tilespmem:s30], [sflag:$0x1] =	stream.indirect_vreg.gather [hbm4b:s1+s5], $0x80, v3, vm0, $0xb8;
	[tilespmem:$0x1A480] =	vst v63  }
0x41: {  	s23 =	simm.s32 $0x8C00  }
0x42: {  	[tilespmem:s23], [sflag:$0x1] =	stream.indirect_vreg.gather [hbm4b:s7+s5], $0x80, v3, vm0, $0xb8;
	[tilespmem:$0x1A480] =	vst v63  }
0x43: {  	s16 =	simm.s32 $0x9400  }
0x44: {  	[tilespmem:s16], [sflag:$0x1] =	stream.indirect_vreg.gather [hbm4b:s8+s5], $0x80, v3, vm0, $0xb8;
	[tilespmem:$0x1A480] =	vst v63  }
0x45: {  	s10 =	simm.s32 $0x9C00  }
0x46: {  	[tilespmem:s10], [sflag:$0x1] =	stream.indirect_vreg.gather [hbm4b:s9+s5], $0x80, v3, vm0, $0xb8;
	[tilespmem:$0x1A480] =	vst v63  }
0x47: {  	v3 =	vld [tilespmem:$0x10];
	_ =	sdelay $0x4  }
0x48: {  	v56 =	vshll.u32 v3, $0x3  }
0x49: {  	v3 =	vand.u32 $0x7, v3;
	v4 =	vand.u32 $0xFFFFFFC0, v56  }
0x4a: {  	v3 =	vor.u32 v3, v4  }
0x4b: {  	v4 =	vperm.xlane v3, v0;
	_ =	sdelay $0x1  }
0x4c: {  	v4 =	vadd.s32 v1, v4;
	_ =	sdelay $0x4  }
0x4d: {  	[tilespmem:s11], [sflag:$0x2] =	stream.indirect_vreg.gather [hbm4b:s1+s5], $0x80, v4, vm0, $0xb8;
	[tilespmem:$0x1A480] =	vst v63  }
0x4e: {  	v3 =	vperm.xlane v3, v2  }
0x4f: {  	[tilespmem:s29], [sflag:$0x2] =	stream.indirect_vreg.gather [hbm4b:s7+s5], $0x80, v4, vm0, $0xb8;
	[tilespmem:$0x1A480] =	vst v63  }
0x50: {  	v3 =	vadd.s32 v1, v3  }
0x51: {  	[tilespmem:s22], [sflag:$0x2] =	stream.indirect_vreg.gather [hbm4b:s8+s5], $0x80, v4, vm0, $0xb8;
	[tilespmem:$0x1A480] =	vst v63  }
0x52: {  	_ = 	snop  }
0x53: {  	[tilespmem:s26], [sflag:$0x2] =	stream.indirect_vreg.gather [hbm4b:s9+s5], $0x80, v4, vm0, $0xb8;
	[tilespmem:$0x1A480] =	vst v63  }
0x54: {  	_ = 	snop  }
0x55: {  	[tilespmem:s31], [sflag:$0x2] =	stream.indirect_vreg.gather [hbm4b:s1+s5], $0x80, v3, vm0, $0xb8;
	[tilespmem:$0x1A480] =	vst v63  }
0x56: {  	_ = 	snop  }
0x57: {  	[tilespmem:s20], [sflag:$0x2] =	stream.indirect_vreg.gather [hbm4b:s7+s5], $0x80, v3, vm0, $0xb8;
	[tilespmem:$0x1A480] =	vst v63  }
0x58: {  	_ = 	snop  }
0x59: {  	[tilespmem:s28], [sflag:$0x2] =	stream.indirect_vreg.gather [hbm4b:s8+s5], $0x80, v3, vm0, $0xb8;
	[tilespmem:$0x1A480] =	vst v63  }
0x5a: {  	_ = 	snop  }
0x5b: {  	[tilespmem:s15], [sflag:$0x2] =	stream.indirect_vreg.gather [hbm4b:s9+s5], $0x80, v3, vm0, $0xb8;
	[tilespmem:$0x1A480] =	vst v63  }
0x5c: {  	v3 =	vld [tilespmem:$0x20];
	_ =	sdelay $0x4  }
0x5d: {  	v57 =	vshll.u32 v3, $0x3  }
0x5e: {  	v3 =	vand.u32 $0x7, v3;
	v4 =	vand.u32 $0xFFFFFFC0, v57  }
0x5f: {  	v3 =	vor.u32 v3, v4  }
0x60: {  	v4 =	vperm.xlane v3, v0;
	_ =	sdelay $0x1  }
0x61: {  	v4 =	vadd.s32 v1, v4;
	_ =	sdelay $0x4  }
0x62: {  	[tilespmem:s6], [sflag:$0x3] =	stream.indirect_vreg.gather [hbm4b:s1+s5], $0x80, v4, vm0, $0xb8;
	[tilespmem:$0x1A480] =	vst v63  }
0x63: {  	v3 =	vperm.xlane v3, v2  }
0x64: {  	[tilespmem:s21], [sflag:$0x3] =	stream.indirect_vreg.gather [hbm4b:s7+s5], $0x80, v4, vm0, $0xb8;
	[tilespmem:$0x1A480] =	vst v63  }
0x65: {  	v3 =	vadd.s32 v1, v3  }
0x66: {  	[tilespmem:s17], [sflag:$0x3] =	stream.indirect_vreg.gather [hbm4b:s8+s5], $0x80, v4, vm0, $0xb8;
	[tilespmem:$0x1A480] =	vst v63  }
0x67: {  	_ = 	snop  }
0x68: {  	[tilespmem:s19], [sflag:$0x3] =	stream.indirect_vreg.gather [hbm4b:s9+s5], $0x80, v4, vm0, $0xb8;
	[tilespmem:$0x1A480] =	vst v63  }
0x69: {  	s19 =	simm.s32 $0x10400  }
0x6a: {  	[tilespmem:s19], [sflag:$0x3] =	stream.indirect_vreg.gather [hbm4b:s1+s5], $0x80, v3, vm0, $0xb8;
	[tilespmem:$0x1A480] =	vst v63  }
0x6b: {  	s20 =	simm.s32 $0x10C00  }
0x6c: {  	[tilespmem:s20], [sflag:$0x3] =	stream.indirect_vreg.gather [hbm4b:s7+s5], $0x80, v3, vm0, $0xb8;
	[tilespmem:$0x1A480] =	vst v63  }
0x6d: {  	s21 =	simm.s32 $0x11400  }
0x6e: {  	[tilespmem:s21], [sflag:$0x3] =	stream.indirect_vreg.gather [hbm4b:s8+s5], $0x80, v3, vm0, $0xb8;
	[tilespmem:$0x1A480] =	vst v63  }
0x6f: {  	s22 =	simm.s32 $0x11C00  }
0x70: {  	[tilespmem:s22], [sflag:$0x3] =	stream.indirect_vreg.gather [hbm4b:s9+s5], $0x80, v3, vm0, $0xb8;
	[tilespmem:$0x1A480] =	vst v63  }
0x71: {  	v3 =	vld [tilespmem:$0x30];
	_ =	sdelay $0x4  }
0x72: {  	v58 =	vshll.u32 v3, $0x3  }
0x73: {  	v3 =	vand.u32 $0x7, v3;
	v4 =	vand.u32 $0xFFFFFFC0, v58  }
0x74: {  	v3 =	vor.u32 v3, v4  }
0x75: {  	v4 =	vperm.xlane v3, v0;
	_ =	sdelay $0x1  }
0x76: {  	v4 =	vadd.s32 v1, v4;
	_ =	sdelay $0x3  }
0x77: {  	s10 =	simm.s32 $0x12400  }
0x78: {  	[tilespmem:s10], [sflag:$0x4] =	stream.indirect_vreg.gather [hbm4b:s1+s5], $0x80, v4, vm0, $0xb8;
	[tilespmem:$0x1A480] =	vst v63  }
0x79: {  	s26 =	simm.s32 $0x12C00;
	v3 =	vperm.xlane v3, v2  }
0x7a: {  	[tilespmem:s26], [sflag:$0x4] =	stream.indirect_vreg.gather [hbm4b:s7+s5], $0x80, v4, vm0, $0xb8;
	[tilespmem:$0x1A480] =	vst v63  }
0x7b: {  	s13 =	simm.s32 $0x13400;
	v3 =	vadd.s32 v1, v3  }
0x7c: {  	[tilespmem:s13], [sflag:$0x4] =	stream.indirect_vreg.gather [hbm4b:s8+s5], $0x80, v4, vm0, $0xb8;
	[tilespmem:$0x1A480] =	vst v63  }
0x7d: {  	s15 =	simm.s32 $0x13C00  }
0x7e: {  	[tilespmem:s15], [sflag:$0x4] =	stream.indirect_vreg.gather [hbm4b:s9+s5], $0x80, v4, vm0, $0xb8;
	[tilespmem:$0x1A480] =	vst v63  }
0x7f: {  	s17 =	simm.s32 $0x14400  }
0x80: {  	[tilespmem:s17], [sflag:$0x4] =	stream.indirect_vreg.gather [hbm4b:s1+s5], $0x80, v3, vm0, $0xb8;
	[tilespmem:$0x1A480] =	vst v63  }
0x81: {  	s18 =	simm.s32 $0x14C00  }
0x82: {  	[tilespmem:s18], [sflag:$0x4] =	stream.indirect_vreg.gather [hbm4b:s7+s5], $0x80, v3, vm0, $0xb8;
	[tilespmem:$0x1A480] =	vst v63  }
0x83: {  	s19 =	simm.s32 $0x15400  }
0x84: {  	[tilespmem:s19], [sflag:$0x4] =	stream.indirect_vreg.gather [hbm4b:s8+s5], $0x80, v3, vm0, $0xb8;
	[tilespmem:$0x1A480] =	vst v63  }
0x85: {  	s20 =	simm.s32 $0x15C00;
	s17 =	simm.s32 $0x1  }
0x86: {  	[tilespmem:s20], [sflag:$0x4] =	stream.indirect_vreg.gather [hbm4b:s9+s5], $0x80, v3, vm0, $0xb8;
	[tilespmem:$0x1A480] =	vst v63  }
0x87: {  	_ =	swait.ge [sflag:s17], $0x4000  }
0x88: {  	[sflag:s17] =	ssyncset.done $0x0  }
0x89: {  	s21 =	rddreg [dreg:$0xa];
	[sflag:s17] =	ssyncadd.s32 $0xFFFFC000  }
0x8a: {  	[hbm4b:s21+s5] =	stream.linear.scatter [tilespmem:s25], [sflag:$0x6], $0x4000, $0x38;
	[tilespmem:$0x1A480] =	vst v63  }
0x8b: {  	v3 =	vld [tilespmem:$0x40];
	_ =	sdelay $0x4  }
0x8c: {  	v59 =	vshll.u32 v3, $0x3  }
0x8d: {  	v3 =	vand.u32 $0x7, v3;
	v4 =	vand.u32 $0xFFFFFFC0, v59  }
0x8e: {  	v3 =	vor.u32 v3, v4  }
0x8f: {  	v4 =	vperm.xlane v3, v0;
	_ =	sdelay $0x1  }
0x90: {  	v4 =	vadd.s32 v1, v4;
	_ =	sdelay $0x3  }
0x91: {  	s19 =	simm.s32 $0x16400  }
0x92: {  	[tilespmem:s19], [sflag:$0x5] =	stream.indirect_vreg.gather [hbm4b:s1+s5], $0x80, v4, vm0, $0xb8;
	[tilespmem:$0x1A480] =	vst v63  }
0x93: {  	s22 =	simm.s32 $0x16C00;
	v3 =	vperm.xlane v3, v2  }
0x94: {  	[tilespmem:s22], [sflag:$0x5] =	stream.indirect_vreg.gather [hbm4b:s7+s5], $0x80, v4, vm0, $0xb8;
	[tilespmem:$0x1A480] =	vst v63  }
0x95: {  	s26 =	simm.s32 $0x17400;
	v3 =	vadd.s32 v1, v3  }
0x96: {  	[tilespmem:s26], [sflag:$0x5] =	stream.indirect_vreg.gather [hbm4b:s8+s5], $0x80, v4, vm0, $0xb8;
	[tilespmem:$0x1A480] =	vst v63  }
0x97: {  	s13 =	simm.s32 $0x17C00  }
0x98: {  	[tilespmem:s13], [sflag:$0x5] =	stream.indirect_vreg.gather [hbm4b:s9+s5], $0x80, v4, vm0, $0xb8;
	[tilespmem:$0x1A480] =	vst v63  }
0x99: {  	s15 =	simm.s32 $0x18400  }
0x9a: {  	[tilespmem:s15], [sflag:$0x5] =	stream.indirect_vreg.gather [hbm4b:s1+s5], $0x80, v3, vm0, $0xb8;
	[tilespmem:$0x1A480] =	vst v63  }
0x9b: {  	s18 =	simm.s32 $0x18C00  }
0x9c: {  	[tilespmem:s18], [sflag:$0x5] =	stream.indirect_vreg.gather [hbm4b:s7+s5], $0x80, v3, vm0, $0xb8;
	[tilespmem:$0x1A480] =	vst v63  }
0x9d: {  	s20 =	simm.s32 $0x19400  }
0x9e: {  	[tilespmem:s20], [sflag:$0x5] =	stream.indirect_vreg.gather [hbm4b:s8+s5], $0x80, v3, vm0, $0xb8;
	[tilespmem:$0x1A480] =	vst v63  }
0x9f: {  	s21 =	simm.s32 $0x19C00  }
0xa0: {  	[tilespmem:s21], [sflag:$0x5] =	stream.indirect_vreg.gather [hbm4b:s9+s5], $0x80, v3, vm0, $0xb8;
	[tilespmem:$0x1A480] =	vst v63  }
0xa1: {  	s21 =	simm.s32 $0x2  }
0xa2: {  	_ =	swait.ge [sflag:s21], $0x4000  }
0xa3: {  	[sflag:s21] =	ssyncset.done $0x0  }
0xa4: {  	s22 =	rddreg [dreg:$0xb];
	[sflag:s21] =	ssyncadd.s32 $0xFFFFC000  }
0xa5: {  	[hbm4b:s22+s5] =	stream.linear.scatter [tilespmem:s11], [sflag:$0x7], $0x4000, $0x38;
	[tilespmem:$0x1A480] =	vst v63  }
0xa6: {  	s22 =	simm.s32 $0x6  }
0xa7: {  	_ =	swait.ge [sflag:s22], $0x4000  }
0xa8: {  	[sflag:s22] =	ssyncset.done $0x0  }
0xa9: {  	[sflag:s22] =	ssyncadd.s32 $0xFFFFC000  }
0xaa: {  	v3 =	vld [tilespmem:$0x50];
	_ =	sdelay $0x4  }
0xab: {  	v60 =	vshll.u32 v3, $0x3  }
0xac: {  	v3 =	vand.u32 $0x7, v3;
	v4 =	vand.u32 $0xFFFFFFC0, v60  }
0xad: {  	v3 =	vor.u32 v3, v4  }
0xae: {  	v4 =	vperm.xlane v3, v0;
	_ =	sdelay $0x1  }
0xaf: {  	v4 =	vadd.s32 v1, v4;
	_ =	sdelay $0x4  }
0xb0: {  	[tilespmem:s25], [sflag:$0x1] =	stream.indirect_vreg.gather [hbm4b:s1+s5], $0x80, v4, vm0, $0xb8;
	[tilespmem:$0x1A480] =	vst v63  }
0xb1: {  	v3 =	vperm.xlane v3, v2  }
0xb2: {  	[tilespmem:s14], [sflag:$0x1] =	stream.indirect_vreg.gather [hbm4b:s7+s5], $0x80, v4, vm0, $0xb8;
	[tilespmem:$0x1A480] =	vst v63  }
0xb3: {  	s26 =	simm.s32 $0x7400;
	v3 =	vadd.s32 v1, v3  }
0xb4: {  	[tilespmem:s26], [sflag:$0x1] =	stream.indirect_vreg.gather [hbm4b:s8+s5], $0x80, v4, vm0, $0xb8;
	[tilespmem:$0x1A480] =	vst v63  }
0xb5: {  	_ = 	snop  }
0xb6: {  	[tilespmem:s3], [sflag:$0x1] =	stream.indirect_vreg.gather [hbm4b:s9+s5], $0x80, v4, vm0, $0xb8;
	[tilespmem:$0x1A480] =	vst v63  }
0xb7: {  	_ = 	snop  }
0xb8: {  	[tilespmem:s30], [sflag:$0x1] =	stream.indirect_vreg.gather [hbm4b:s1+s5], $0x80, v3, vm0, $0xb8;
	[tilespmem:$0x1A480] =	vst v63  }
0xb9: {  	_ = 	snop  }
0xba: {  	[tilespmem:s23], [sflag:$0x1] =	stream.indirect_vreg.gather [hbm4b:s7+s5], $0x80, v3, vm0, $0xb8;
	[tilespmem:$0x1A480] =	vst v63  }
0xbb: {  	_ = 	snop  }
0xbc: {  	[tilespmem:s16], [sflag:$0x1] =	stream.indirect_vreg.gather [hbm4b:s8+s5], $0x80, v3, vm0, $0xb8;
	[tilespmem:$0x1A480] =	vst v63  }
0xbd: {  	s12 =	simm.s32 $0x9C00;
	s26 =	simm.s32 $0x3  }
0xbe: {  	[tilespmem:s12], [sflag:$0x1] =	stream.indirect_vreg.gather [hbm4b:s9+s5], $0x80, v3, vm0, $0xb8;
	[tilespmem:$0x1A480] =	vst v63  }
0xbf: {  	_ =	swait.ge [sflag:s26], $0x4000  }
0xc0: {  	[sflag:s26] =	ssyncset.done $0x0  }
0xc1: {  	s29 =	simm.s32 $0x7;
	s23 =	rddreg [dreg:$0xc];
	[sflag:s26] =	ssyncadd.s32 $0xFFFFC000  }
0xc2: {  	[hbm4b:s23+s5] =	stream.linear.scatter [tilespmem:s6], [sflag:$0x8], $0x4000, $0x38;
	[tilespmem:$0x1A480] =	vst v63  }
0xc3: {  	_ =	swait.ge [sflag:s29], $0x4000  }
0xc4: {  	[sflag:s29] =	ssyncset.done $0x0  }
0xc5: {  	[sflag:s29] =	ssyncadd.s32 $0xFFFFC000  }
0xc6: {  	v3 =	vld [tilespmem:$0x60];
	_ =	sdelay $0x4  }
0xc7: {  	v61 =	vshll.u32 v3, $0x3  }
0xc8: {  	v3 =	vand.u32 $0x7, v3;
	v4 =	vand.u32 $0xFFFFFFC0, v61  }
0xc9: {  	v3 =	vor.u32 v3, v4  }
0xca: {  	v4 =	vperm.xlane v3, v0;
	_ =	sdelay $0x1  }
0xcb: {  	v4 =	vadd.s32 v1, v4;
	_ =	sdelay $0x4  }
0xcc: {  	[tilespmem:s11], [sflag:$0x2] =	stream.indirect_vreg.gather [hbm4b:s1+s5], $0x80, v4, vm0, $0xb8;
	[tilespmem:$0x1A480] =	vst v63  }
0xcd: {  	s25 =	simm.s32 $0xAC00;
	v3 =	vperm.xlane v3, v2  }
0xce: {  	[tilespmem:s25], [sflag:$0x2] =	stream.indirect_vreg.gather [hbm4b:s7+s5], $0x80, v4, vm0, $0xb8;
	[tilespmem:$0x1A480] =	vst v63  }
0xcf: {  	s31 =	simm.s32 $0xB400;
	v3 =	vadd.s32 v1, v3  }
0xd0: {  	[tilespmem:s31], [sflag:$0x2] =	stream.indirect_vreg.gather [hbm4b:s8+s5], $0x80, v4, vm0, $0xb8;
	[tilespmem:$0x1A480] =	vst v63  }
0xd1: {  	s16 =	simm.s32 $0xBC00  }
0xd2: {  	[tilespmem:s16], [sflag:$0x2] =	stream.indirect_vreg.gather [hbm4b:s9+s5], $0x80, v4, vm0, $0xb8;
	[tilespmem:$0x1A480] =	vst v63  }
0xd3: {  	s20 =	simm.s32 $0xC400  }
0xd4: {  	[tilespmem:s20], [sflag:$0x2] =	stream.indirect_vreg.gather [hbm4b:s1+s5], $0x80, v3, vm0, $0xb8;
	[tilespmem:$0x1A480] =	vst v63  }
0xd5: {  	s28 =	simm.s32 $0xCC00  }
0xd6: {  	[tilespmem:s28], [sflag:$0x2] =	stream.indirect_vreg.gather [hbm4b:s7+s5], $0x80, v3, vm0, $0xb8;
	[tilespmem:$0x1A480] =	vst v63  }
0xd7: {  	s15 =	simm.s32 $0xD400  }
0xd8: {  	[tilespmem:s15], [sflag:$0x2] =	stream.indirect_vreg.gather [hbm4b:s8+s5], $0x80, v3, vm0, $0xb8;
	[tilespmem:$0x1A480] =	vst v63  }
0xd9: {  	s18 =	simm.s32 $0xDC00;
	s31 =	simm.s32 $0x4  }
0xda: {  	[tilespmem:s18], [sflag:$0x2] =	stream.indirect_vreg.gather [hbm4b:s9+s5], $0x80, v3, vm0, $0xb8;
	[tilespmem:$0x1A480] =	vst v63  }
0xdb: {  	_ =	swait.ge [sflag:s31], $0x4000  }
0xdc: {  	[sflag:s31] =	ssyncset.done $0x0  }
0xdd: {  	s11 =	rddreg [dreg:$0xd];
	[sflag:s31] =	ssyncadd.s32 $0xFFFFC000  }
0xde: {  	[hbm4b:s11+s5] =	stream.linear.scatter [tilespmem:s10], [sflag:$0x9], $0x4000, $0x38;
	[tilespmem:$0x1A480] =	vst v63  }
0xdf: {  	s10 =	simm.s32 $0x8  }
0xe0: {  	_ =	swait.ge [sflag:s10], $0x4000  }
0xe1: {  	[sflag:s10] =	ssyncset.done $0x0  }
0xe2: {  	[sflag:s10] =	ssyncadd.s32 $0xFFFFC000  }
0xe3: {  	v3 =	vld [tilespmem:$0x70];
	_ =	sdelay $0x4  }
0xe4: {  	v62 =	vshll.u32 v3, $0x3  }
0xe5: {  	v3 =	vand.u32 $0x7, v3;
	v4 =	vand.u32 $0xFFFFFFC0, v62  }
0xe6: {  	v3 =	vor.u32 v3, v4  }
0xe7: {  	v4 =	vperm.xlane v3, v0;
	_ =	sdelay $0x1  }
0xe8: {  	v4 =	vadd.s32 v1, v4;
	_ =	sdelay $0x4  }
0xe9: {  	[tilespmem:s6], [sflag:$0x3] =	stream.indirect_vreg.gather [hbm4b:s1+s5], $0x80, v4, vm0, $0xb8;
	[tilespmem:$0x1A480] =	vst v63  }
0xea: {  	s12 =	simm.s32 $0xEC00;
	v3 =	vperm.xlane v3, v2  }
0xeb: {  	[tilespmem:s12], [sflag:$0x3] =	stream.indirect_vreg.gather [hbm4b:s7+s5], $0x80, v4, vm0, $0xb8;
	[tilespmem:$0x1A480] =	vst v63  }
0xec: {  	s15 =	simm.s32 $0xF400;
	v3 =	vadd.s32 v1, v3  }
0xed: {  	[tilespmem:s15], [sflag:$0x3] =	stream.indirect_vreg.gather [hbm4b:s8+s5], $0x80, v4, vm0, $0xb8;
	[tilespmem:$0x1A480] =	vst v63  }
0xee: {  	s16 =	simm.s32 $0xFC00  }
0xef: {  	[tilespmem:s16], [sflag:$0x3] =	stream.indirect_vreg.gather [hbm4b:s9+s5], $0x80, v4, vm0, $0xb8;
	[tilespmem:$0x1A480] =	vst v63  }
0xf0: {  	s13 =	simm.s32 $0x10400  }
0xf1: {  	[tilespmem:s13], [sflag:$0x3] =	stream.indirect_vreg.gather [hbm4b:s1+s5], $0x80, v3, vm0, $0xb8;
	[tilespmem:$0x1A480] =	vst v63  }
0xf2: {  	s14 =	simm.s32 $0x10C00  }
0xf3: {  	[tilespmem:s14], [sflag:$0x3] =	stream.indirect_vreg.gather [hbm4b:s7+s5], $0x80, v3, vm0, $0xb8;
	[tilespmem:$0x1A480] =	vst v63  }
0xf4: {  	s12 =	simm.s32 $0x11400  }
0xf5: {  	[tilespmem:s12], [sflag:$0x3] =	stream.indirect_vreg.gather [hbm4b:s8+s5], $0x80, v3, vm0, $0xb8;
	[tilespmem:$0x1A480] =	vst v63  }
0xf6: {  	s25 =	simm.s32 $0x11C00;
	s14 =	simm.s32 $0x5  }
0xf7: {  	[tilespmem:s25], [sflag:$0x3] =	stream.indirect_vreg.gather [hbm4b:s9+s5], $0x80, v3, vm0, $0xb8;
	[tilespmem:$0x1A480] =	vst v63  }
0xf8: {  	_ =	swait.ge [sflag:s14], $0x4000  }
0xf9: {  	[sflag:s14] =	ssyncset.done $0x0  }
0xfa: {  	s15 =	rddreg [dreg:$0xe];
	[sflag:s14] =	ssyncadd.s32 $0xFFFFC000  }
0xfb: {  	[hbm4b:s15+s5] =	stream.linear.scatter [tilespmem:s19], [sflag:$0xA], $0x4000, $0x38;
	[tilespmem:$0x1A480] =	vst v63  }
0xfc: {  	s15 =	simm.s32 $0x9  }
0xfd: {  	_ =	swait.ge [sflag:s15], $0x4000  }
0xfe: {  	[sflag:s15] =	ssyncset.done $0x0  }
0xff: {  	[sflag:s15] =	ssyncadd.s32 $0xFFFFC000  }
0x100: {  	v3 =	vld [tilespmem:$0x80];
	_ =	sdelay $0x4  }
0x101: {  	v63 =	vshll.u32 v3, $0x3  }
0x102: {  	v3 =	vand.u32 $0x7, v3;
	v4 =	vand.u32 $0xFFFFFFC0, v63  }
0x103: {  	v3 =	vor.u32 v3, v4  }
0x104: {  	v4 =	vperm.xlane v3, v0;
	_ =	sdelay $0x1  }
0x105: {  	v4 =	vadd.s32 v1, v4;
	_ =	sdelay $0x3  }
0x106: {  	s23 =	simm.s32 $0x12400  }
0x107: {  	[tilespmem:s23], [sflag:$0x4] =	stream.indirect_vreg.gather [hbm4b:s1+s5], $0x80, v4, vm0, $0xb8;
	[tilespmem:$0x1A480] =	vst v63  }
0x108: {  	s20 =	simm.s32 $0x12C00;
	v3 =	vperm.xlane v3, v2  }
0x109: {  	[tilespmem:s20], [sflag:$0x4] =	stream.indirect_vreg.gather [hbm4b:s7+s5], $0x80, v4, vm0, $0xb8;
	[tilespmem:$0x1A480] =	vst v63  }
0x10a: {  	s18 =	simm.s32 $0x13400;
	v3 =	vadd.s32 v1, v3  }
0x10b: {  	[tilespmem:s18], [sflag:$0x4] =	stream.indirect_vreg.gather [hbm4b:s8+s5], $0x80, v4, vm0, $0xb8;
	[tilespmem:$0x1A480] =	vst v63  }
0x10c: {  	s25 =	simm.s32 $0x13C00  }
0x10d: {  	[tilespmem:s25], [sflag:$0x4] =	stream.indirect_vreg.gather [hbm4b:s9+s5], $0x80, v4, vm0, $0xb8;
	[tilespmem:$0x1A480] =	vst v63  }
0x10e: {  	s3 =	simm.s32 $0xA;
	s23 =	simm.s32 $0x14400  }
0x10f: {  	[tilespmem:s23], [sflag:$0x4] =	stream.indirect_vreg.gather [hbm4b:s1+s5], $0x80, v3, vm0, $0xb8;
	[tilespmem:$0x1A480] =	vst v63  }
0x110: {  	s30 =	simm.s32 $0xE400;
	s28 =	simm.s32 $0xD400;
	s20 =	simm.s32 $0x14C00  }
0x111: {  	[tilespmem:s20], [sflag:$0x4] =	stream.indirect_vreg.gather [hbm4b:s7+s5], $0x80, v3, vm0, $0xb8;
	[tilespmem:$0x1A480] =	vst v63  }
0x112: {  	s11 =	simm.s32 $0xA400;
	s16 =	simm.s32 $0x15C00;
	s18 =	simm.s32 $0x15400  }
0x113: {  	[tilespmem:s18], [sflag:$0x4] =	stream.indirect_vreg.gather [hbm4b:s8+s5], $0x80, v3, vm0, $0xb8;
	[tilespmem:$0x1A480] =	vst v63  }
0x114: {  	s12 =	simm.s32 $0xD0;
	s25 =	simm.s32 $0x8C00;
	s23 =	simm.s32 $0x6400  }
0x115: {  	[tilespmem:s16], [sflag:$0x4] =	stream.indirect_vreg.gather [hbm4b:s9+s5], $0x80, v3, vm0, $0xb8;
	[tilespmem:$0x1A480] =	vst v63  }
0x116: {  	s20 =	simm.s32 $0xB400;
	s18 =	simm.s32 $0x7C00;
	s16 =	simm.s32 $0x9400  }
.LBB2_4:
0x117: {  	_ =	swait.ge [sflag:s17], $0x4000  }
0x118: {  	s13 =	rddreg [dreg:$0x7]  }
0x119: {  	[sflag:s17] =	ssyncset.done $0x0;
	s13 =	sadd.s32 s5, s13  }
0x11a: {  	[sflag:s17] =	ssyncadd.s32 $0xFFFFC000;
	s14 =	sadd.s32 $0x2800, s13  }
0x11b: {  	[hbm4b:s14+s4] =	stream.linear.scatter [tilespmem:s23], [sflag:$0x6], $0x4000, $0x38;
	[tilespmem:$0x1A480] =	vst v63  }
0x11c: {  	_ =	swait.ge [sflag:s3], $0x4000  }
0x11d: {  	[sflag:s3] =	ssyncset.done $0x0  }
0x11e: {  	[sflag:s3] =	ssyncadd.s32 $0xFFFFC000  }
0x11f: {  	v3 =	vld [tilespmem:s12+$0xFFFFFFC0];
	_ =	sdelay $0x4  }
0x120: {  	v4 =	vshll.u32 v3, $0x3  }
0x121: {  	v3 =	vand.u32 $0x7, v3;
	v4 =	vand.u32 $0xFFFFFFC0, v4  }
0x122: {  	v3 =	vor.u32 v3, v4  }
0x123: {  	v4 =	vperm.xlane v3, v0;
	_ =	sdelay $0x1  }
0x124: {  	v4 =	vadd.s32 v1, v4;
	_ =	sdelay $0x4  }
0x125: {  	[tilespmem:s19], [sflag:$0x5] =	stream.indirect_vreg.gather [hbm4b:s1+s4], $0x80, v4, vm0, $0xb8;
	[tilespmem:$0x1A480] =	vst v63  }
0x126: {  	s14 =	simm.s32 $0x16C00;
	v3 =	vperm.xlane v3, v2  }
0x127: {  	[tilespmem:s14], [sflag:$0x5] =	stream.indirect_vreg.gather [hbm4b:s7+s4], $0x80, v4, vm0, $0xb8;
	[tilespmem:$0x1A480] =	vst v63  }
0x128: {  	v3 =	vadd.s32 v1, v3;
	s14 =	simm.s32 $0x17400  }
0x129: {  	[tilespmem:s14], [sflag:$0x5] =	stream.indirect_vreg.gather [hbm4b:s8+s4], $0x80, v4, vm0, $0xb8;
	[tilespmem:$0x1A480] =	vst v63  }
0x12a: {  	s14 =	simm.s32 $0x17C00  }
0x12b: {  	[tilespmem:s14], [sflag:$0x5] =	stream.indirect_vreg.gather [hbm4b:s9+s4], $0x80, v4, vm0, $0xb8;
	[tilespmem:$0x1A480] =	vst v63  }
0x12c: {  	s14 =	simm.s32 $0x18400  }
0x12d: {  	[tilespmem:s14], [sflag:$0x5] =	stream.indirect_vreg.gather [hbm4b:s1+s4], $0x80, v3, vm0, $0xb8;
	[tilespmem:$0x1A480] =	vst v63  }
0x12e: {  	s14 =	simm.s32 $0x18C00  }
0x12f: {  	[tilespmem:s14], [sflag:$0x5] =	stream.indirect_vreg.gather [hbm4b:s7+s4], $0x80, v3, vm0, $0xb8;
	[tilespmem:$0x1A480] =	vst v63  }
0x130: {  	s14 =	simm.s32 $0x19400  }
0x131: {  	[tilespmem:s14], [sflag:$0x5] =	stream.indirect_vreg.gather [hbm4b:s8+s4], $0x80, v3, vm0, $0xb8;
	[tilespmem:$0x1A480] =	vst v63  }
0x132: {  	s14 =	simm.s32 $0x19C00  }
0x133: {  	[tilespmem:s14], [sflag:$0x5] =	stream.indirect_vreg.gather [hbm4b:s9+s4], $0x80, v3, vm0, $0xb8;
	[tilespmem:$0x1A480] =	vst v63  }
0x134: {  	_ =	swait.ge [sflag:s21], $0x4000  }
0x135: {  	[sflag:s21] =	ssyncset.done $0x0  }
0x136: {  	s14 =	sadd.s32 $0x3000, s13;
	[sflag:s21] =	ssyncadd.s32 $0xFFFFC000  }
0x137: {  	[hbm4b:s14+s4] =	stream.linear.scatter [tilespmem:s11], [sflag:$0x7], $0x4000, $0x38;
	[tilespmem:$0x1A480] =	vst v63  }
0x138: {  	_ =	swait.ge [sflag:s22], $0x4000  }
0x139: {  	[sflag:s22] =	ssyncset.done $0x0  }
0x13a: {  	[sflag:s22] =	ssyncadd.s32 $0xFFFFC000  }
0x13b: {  	v3 =	vld [tilespmem:s12+$0xFFFFFFD0];
	_ =	sdelay $0x4  }
0x13c: {  	v60 =	vshll.u32 v3, $0x3  }
0x13d: {  	v3 =	vand.u32 $0x7, v3;
	v4 =	vand.u32 $0xFFFFFFC0, v60  }
0x13e: {  	v3 =	vor.u32 v3, v4  }
0x13f: {  	v4 =	vperm.xlane v3, v0;
	_ =	sdelay $0x1  }
0x140: {  	v4 =	vadd.s32 v1, v4;
	_ =	sdelay $0x4  }
0x141: {  	[tilespmem:s23], [sflag:$0x1] =	stream.indirect_vreg.gather [hbm4b:s1+s4], $0x80, v4, vm0, $0xb8;
	[tilespmem:$0x1A480] =	vst v63  }
0x142: {  	s14 =	simm.s32 $0x6C00;
	v3 =	vperm.xlane v3, v2  }
0x143: {  	[tilespmem:s14], [sflag:$0x1] =	stream.indirect_vreg.gather [hbm4b:s7+s4], $0x80, v4, vm0, $0xb8;
	[tilespmem:$0x1A480] =	vst v63  }
0x144: {  	v3 =	vadd.s32 v1, v3;
	s14 =	simm.s32 $0x7400  }
0x145: {  	[tilespmem:s14], [sflag:$0x1] =	stream.indirect_vreg.gather [hbm4b:s8+s4], $0x80, v4, vm0, $0xb8;
	[tilespmem:$0x1A480] =	vst v63  }
0x146: {  	_ = 	snop  }
0x147: {  	[tilespmem:s18], [sflag:$0x1] =	stream.indirect_vreg.gather [hbm4b:s9+s4], $0x80, v4, vm0, $0xb8;
	[tilespmem:$0x1A480] =	vst v63  }
0x148: {  	s14 =	simm.s32 $0x8400  }
0x149: {  	[tilespmem:s14], [sflag:$0x1] =	stream.indirect_vreg.gather [hbm4b:s1+s4], $0x80, v3, vm0, $0xb8;
	[tilespmem:$0x1A480] =	vst v63  }
0x14a: {  	_ = 	snop  }
0x14b: {  	[tilespmem:s25], [sflag:$0x1] =	stream.indirect_vreg.gather [hbm4b:s7+s4], $0x80, v3, vm0, $0xb8;
	[tilespmem:$0x1A480] =	vst v63  }
0x14c: {  	_ = 	snop  }
0x14d: {  	[tilespmem:s16], [sflag:$0x1] =	stream.indirect_vreg.gather [hbm4b:s8+s4], $0x80, v3, vm0, $0xb8;
	[tilespmem:$0x1A480] =	vst v63  }
0x14e: {  	s14 =	simm.s32 $0x9C00  }
0x14f: {  	[tilespmem:s14], [sflag:$0x1] =	stream.indirect_vreg.gather [hbm4b:s9+s4], $0x80, v3, vm0, $0xb8;
	[tilespmem:$0x1A480] =	vst v63  }
0x150: {  	_ =	swait.ge [sflag:s26], $0x4000  }
0x151: {  	[sflag:s26] =	ssyncset.done $0x0  }
0x152: {  	s14 =	sadd.s32 $0x3800, s13;
	[sflag:s26] =	ssyncadd.s32 $0xFFFFC000  }
0x153: {  	[hbm4b:s14+s4] =	stream.linear.scatter [tilespmem:s30], [sflag:$0x8], $0x4000, $0x38;
	[tilespmem:$0x1A480] =	vst v63  }
0x154: {  	_ =	swait.ge [sflag:s29], $0x4000  }
0x155: {  	[sflag:s29] =	ssyncset.done $0x0  }
0x156: {  	[sflag:s29] =	ssyncadd.s32 $0xFFFFC000  }
0x157: {  	v3 =	vld [tilespmem:s12+$0xFFFFFFE0];
	_ =	sdelay $0x4  }
0x158: {  	v61 =	vshll.u32 v3, $0x3  }
0x159: {  	v3 =	vand.u32 $0x7, v3;
	v4 =	vand.u32 $0xFFFFFFC0, v61  }
0x15a: {  	v3 =	vor.u32 v3, v4  }
0x15b: {  	v4 =	vperm.xlane v3, v0;
	_ =	sdelay $0x1  }
0x15c: {  	v4 =	vadd.s32 v1, v4;
	_ =	sdelay $0x4  }
0x15d: {  	[tilespmem:s11], [sflag:$0x2] =	stream.indirect_vreg.gather [hbm4b:s1+s4], $0x80, v4, vm0, $0xb8;
	[tilespmem:$0x1A480] =	vst v63  }
0x15e: {  	s14 =	simm.s32 $0xAC00;
	v3 =	vperm.xlane v3, v2  }
0x15f: {  	[tilespmem:s14], [sflag:$0x2] =	stream.indirect_vreg.gather [hbm4b:s7+s4], $0x80, v4, vm0, $0xb8;
	[tilespmem:$0x1A480] =	vst v63  }
0x160: {  	v3 =	vadd.s32 v1, v3  }
0x161: {  	[tilespmem:s20], [sflag:$0x2] =	stream.indirect_vreg.gather [hbm4b:s8+s4], $0x80, v4, vm0, $0xb8;
	[tilespmem:$0x1A480] =	vst v63  }
0x162: {  	s14 =	simm.s32 $0xBC00  }
0x163: {  	[tilespmem:s14], [sflag:$0x2] =	stream.indirect_vreg.gather [hbm4b:s9+s4], $0x80, v4, vm0, $0xb8;
	[tilespmem:$0x1A480] =	vst v63  }
0x164: {  	s14 =	simm.s32 $0xC400  }
0x165: {  	[tilespmem:s14], [sflag:$0x2] =	stream.indirect_vreg.gather [hbm4b:s1+s4], $0x80, v3, vm0, $0xb8;
	[tilespmem:$0x1A480] =	vst v63  }
0x166: {  	s14 =	simm.s32 $0xCC00  }
0x167: {  	[tilespmem:s14], [sflag:$0x2] =	stream.indirect_vreg.gather [hbm4b:s7+s4], $0x80, v3, vm0, $0xb8;
	[tilespmem:$0x1A480] =	vst v63  }
0x168: {  	_ = 	snop  }
0x169: {  	[tilespmem:s28], [sflag:$0x2] =	stream.indirect_vreg.gather [hbm4b:s8+s4], $0x80, v3, vm0, $0xb8;
	[tilespmem:$0x1A480] =	vst v63  }
0x16a: {  	s14 =	simm.s32 $0xDC00  }
0x16b: {  	[tilespmem:s14], [sflag:$0x2] =	stream.indirect_vreg.gather [hbm4b:s9+s4], $0x80, v3, vm0, $0xb8;
	[tilespmem:$0x1A480] =	vst v63  }
0x16c: {  	_ =	swait.ge [sflag:s31], $0x4000  }
0x16d: {  	[sflag:s31] =	ssyncset.done $0x0  }
0x16e: {  	s6 =	simm.s32 $0x12400;
	s14 =	sadd.s32 $0x4000, s13;
	[sflag:s31] =	ssyncadd.s32 $0xFFFFC000  }
0x16f: {  	[hbm4b:s14+s4] =	stream.linear.scatter [tilespmem:s6], [sflag:$0x9], $0x4000, $0x38;
	[tilespmem:$0x1A480] =	vst v63  }
0x170: {  	_ =	swait.ge [sflag:s10], $0x4000  }
0x171: {  	[sflag:s10] =	ssyncset.done $0x0  }
0x172: {  	[sflag:s10] =	ssyncadd.s32 $0xFFFFC000  }
0x173: {  	v3 =	vld [tilespmem:s12+$0xFFFFFFF0];
	_ =	sdelay $0x4  }
0x174: {  	v62 =	vshll.u32 v3, $0x3  }
0x175: {  	v3 =	vand.u32 $0x7, v3;
	v4 =	vand.u32 $0xFFFFFFC0, v62  }
0x176: {  	v3 =	vor.u32 v3, v4  }
0x177: {  	v4 =	vperm.xlane v3, v0;
	_ =	sdelay $0x1  }
0x178: {  	v4 =	vadd.s32 v1, v4;
	_ =	sdelay $0x4  }
0x179: {  	[tilespmem:s30], [sflag:$0x3] =	stream.indirect_vreg.gather [hbm4b:s1+s4], $0x80, v4, vm0, $0xb8;
	[tilespmem:$0x1A480] =	vst v63  }
0x17a: {  	s6 =	simm.s32 $0xEC00;
	v3 =	vperm.xlane v3, v2  }
0x17b: {  	[tilespmem:s6], [sflag:$0x3] =	stream.indirect_vreg.gather [hbm4b:s7+s4], $0x80, v4, vm0, $0xb8;
	[tilespmem:$0x1A480] =	vst v63  }
0x17c: {  	v3 =	vadd.s32 v1, v3;
	s6 =	simm.s32 $0xF400  }
0x17d: {  	[tilespmem:s6], [sflag:$0x3] =	stream.indirect_vreg.gather [hbm4b:s8+s4], $0x80, v4, vm0, $0xb8;
	[tilespmem:$0x1A480] =	vst v63  }
0x17e: {  	s6 =	simm.s32 $0xFC00  }
0x17f: {  	[tilespmem:s6], [sflag:$0x3] =	stream.indirect_vreg.gather [hbm4b:s9+s4], $0x80, v4, vm0, $0xb8;
	[tilespmem:$0x1A480] =	vst v63  }
0x180: {  	s14 =	simm.s32 $0x10400  }
0x181: {  	[tilespmem:s14], [sflag:$0x3] =	stream.indirect_vreg.gather [hbm4b:s1+s4], $0x80, v3, vm0, $0xb8;
	[tilespmem:$0x1A480] =	vst v63  }
0x182: {  	s6 =	simm.s32 $0x10C00  }
0x183: {  	[tilespmem:s6], [sflag:$0x3] =	stream.indirect_vreg.gather [hbm4b:s7+s4], $0x80, v3, vm0, $0xb8;
	[tilespmem:$0x1A480] =	vst v63  }
0x184: {  	s6 =	simm.s32 $0x11400  }
0x185: {  	[tilespmem:s6], [sflag:$0x3] =	stream.indirect_vreg.gather [hbm4b:s8+s4], $0x80, v3, vm0, $0xb8;
	[tilespmem:$0x1A480] =	vst v63  }
0x186: {  	s14 =	simm.s32 $0x5;
	s6 =	simm.s32 $0x11C00  }
0x187: {  	[tilespmem:s6], [sflag:$0x3] =	stream.indirect_vreg.gather [hbm4b:s9+s4], $0x80, v3, vm0, $0xb8;
	[tilespmem:$0x1A480] =	vst v63  }
0x188: {  	_ =	swait.ge [sflag:s14], $0x4000  }
0x189: {  	[sflag:s14] =	ssyncset.done $0x0  }
0x18a: {  	s13 =	sadd.s32 $0x4800, s13;
	[sflag:s14] =	ssyncadd.s32 $0xFFFFC000  }
0x18b: {  	[hbm4b:s13+s4] =	stream.linear.scatter [tilespmem:s19], [sflag:$0xA], $0x4000, $0x38;
	[tilespmem:$0x1A480] =	vst v63  }
0x18c: {  	_ =	swait.ge [sflag:s15], $0x4000  }
0x18d: {  	[sflag:s15] =	ssyncset.done $0x0  }
0x18e: {  	[sflag:s15] =	ssyncadd.s32 $0xFFFFC000  }
0x18f: {  	v3 =	vld [tilespmem:s12+$0x0];
	_ =	sdelay $0x4  }
0x190: {  	v63 =	vshll.u32 v3, $0x3  }
0x191: {  	v3 =	vand.u32 $0x7, v3;
	v4 =	vand.u32 $0xFFFFFFC0, v63  }
0x192: {  	v3 =	vor.u32 v3, v4  }
0x193: {  	v4 =	vperm.xlane v3, v0;
	_ =	sdelay $0x1  }
0x194: {  	v4 =	vadd.s32 v1, v4;
	_ =	sdelay $0x3  }
0x195: {  	s6 =	simm.s32 $0x12400  }
0x196: {  	[tilespmem:s6], [sflag:$0x4] =	stream.indirect_vreg.gather [hbm4b:s1+s4], $0x80, v4, vm0, $0xb8;
	[tilespmem:$0x1A480] =	vst v63  }
0x197: {  	s13 =	simm.s32 $0x12C00;
	v3 =	vperm.xlane v3, v2  }
0x198: {  	[tilespmem:s13], [sflag:$0x4] =	stream.indirect_vreg.gather [hbm4b:s7+s4], $0x80, v4, vm0, $0xb8;
	[tilespmem:$0x1A480] =	vst v63  }
0x199: {  	v3 =	vadd.s32 v1, v3;
	s13 =	simm.s32 $0x13400  }
0x19a: {  	[tilespmem:s13], [sflag:$0x4] =	stream.indirect_vreg.gather [hbm4b:s8+s4], $0x80, v4, vm0, $0xb8;
	[tilespmem:$0x1A480] =	vst v63  }
0x19b: {  	s13 =	simm.s32 $0x13C00  }
0x19c: {  	[tilespmem:s13], [sflag:$0x4] =	stream.indirect_vreg.gather [hbm4b:s9+s4], $0x80, v4, vm0, $0xb8;
	[tilespmem:$0x1A480] =	vst v63  }
0x19d: {  	s13 =	simm.s32 $0x14400  }
0x19e: {  	[tilespmem:s13], [sflag:$0x4] =	stream.indirect_vreg.gather [hbm4b:s1+s4], $0x80, v3, vm0, $0xb8;
	[tilespmem:$0x1A480] =	vst v63  }
0x19f: {  	p0 =	sne.s32 s5, $0xC0800;
	s13 =	simm.s32 $0x14C00  }
0x1a0: {  	[tilespmem:s13], [sflag:$0x4] =	stream.indirect_vreg.gather [hbm4b:s7+s4], $0x80, v3, vm0, $0xb8;
	[tilespmem:$0x1A480] =	vst v63  }
.Ltmp1:
0x1a1: {  	_ = 	snop;
	(pc) =	sbr.rel @p0 .LBB2_4-.Ltmp1, $4  }
0x1a2: {  	s13 =	simm.s32 $0x15400  }
0x1a3: {  	[tilespmem:s13], [sflag:$0x4] =	stream.indirect_vreg.gather [hbm4b:s8+s4], $0x80, v3, vm0, $0xb8;
	[tilespmem:$0x1A480] =	vst v63  }
0x1a4: {  	s5 =	sadd.s32 $0x2800, s5;
	s12 =	sadd.s32 $0x50, s12;
	s13 =	simm.s32 $0x15C00  }
0x1a5: {  	[tilespmem:s13], [sflag:$0x4] =	stream.indirect_vreg.gather [hbm4b:s9+s4], $0x80, v3, vm0, $0xb8;
	[tilespmem:$0x1A480] =	vst v63  }
0x1a6: {  	_ =	swait.ge [sflag:s17], $0x4000  }
0x1a7: {  	[sflag:s17] =	ssyncset.done $0x0  }
0x1a8: {  	s5 =	rddreg [dreg:$0xf];
	[sflag:s17] =	ssyncadd.s32 $0xFFFFC000  }
0x1a9: {  	[hbm4b:s5+s4] =	stream.linear.scatter [tilespmem:s23], [sflag:$0x6], $0x4000, $0x38;
	[tilespmem:$0x1A480] =	vst v63  }
0x1aa: {  	_ =	swait.ge [sflag:s3], $0x4000  }
0x1ab: {  	[sflag:s3] =	ssyncset.done $0x0  }
0x1ac: {  	[sflag:s3] =	ssyncadd.s32 $0xFFFFC000  }
0x1ad: {  	v3 =	vld [tilespmem:$0x18F0];
	_ =	sdelay $0x4  }
0x1ae: {  	v4 =	vshll.u32 v3, $0x3  }
0x1af: {  	v3 =	vand.u32 $0x7, v3;
	v4 =	vand.u32 $0xFFFFFFC0, v4  }
0x1b0: {  	v3 =	vor.u32 v3, v4  }
0x1b1: {  	v4 =	vperm.xlane v3, v0;
	_ =	sdelay $0x1  }
0x1b2: {  	v4 =	vadd.s32 v1, v4;
	_ =	sdelay $0x4  }
0x1b3: {  	[tilespmem:s19], [sflag:$0x5] =	stream.indirect_vreg.gather [hbm4b:s1+s4], $0x80, v4, vm0, $0xb8;
	[tilespmem:$0x1A480] =	vst v63  }
0x1b4: {  	s12 =	simm.s32 $0x16C00;
	v3 =	vperm.xlane v3, v2  }
0x1b5: {  	[tilespmem:s12], [sflag:$0x5] =	stream.indirect_vreg.gather [hbm4b:s7+s4], $0x80, v4, vm0, $0xb8;
	[tilespmem:$0x1A480] =	vst v63  }
0x1b6: {  	s13 =	simm.s32 $0x17400;
	v3 =	vadd.s32 v1, v3  }
0x1b7: {  	[tilespmem:s13], [sflag:$0x5] =	stream.indirect_vreg.gather [hbm4b:s8+s4], $0x80, v4, vm0, $0xb8;
	[tilespmem:$0x1A480] =	vst v63  }
0x1b8: {  	s16 =	simm.s32 $0x17C00  }
0x1b9: {  	[tilespmem:s16], [sflag:$0x5] =	stream.indirect_vreg.gather [hbm4b:s9+s4], $0x80, v4, vm0, $0xb8;
	[tilespmem:$0x1A480] =	vst v63  }
0x1ba: {  	s17 =	simm.s32 $0x18400  }
0x1bb: {  	[tilespmem:s17], [sflag:$0x5] =	stream.indirect_vreg.gather [hbm4b:s1+s4], $0x80, v3, vm0, $0xb8;
	[tilespmem:$0x1A480] =	vst v63  }
0x1bc: {  	s18 =	simm.s32 $0x18C00  }
0x1bd: {  	[tilespmem:s18], [sflag:$0x5] =	stream.indirect_vreg.gather [hbm4b:s7+s4], $0x80, v3, vm0, $0xb8;
	[tilespmem:$0x1A480] =	vst v63  }
0x1be: {  	s20 =	simm.s32 $0x19400  }
0x1bf: {  	[tilespmem:s20], [sflag:$0x5] =	stream.indirect_vreg.gather [hbm4b:s8+s4], $0x80, v3, vm0, $0xb8;
	[tilespmem:$0x1A480] =	vst v63  }
0x1c0: {  	s23 =	simm.s32 $0x19C00  }
0x1c1: {  	[tilespmem:s23], [sflag:$0x5] =	stream.indirect_vreg.gather [hbm4b:s9+s4], $0x80, v3, vm0, $0xb8;
	[tilespmem:$0x1A480] =	vst v63  }
0x1c2: {  	_ =	swait.ge [sflag:s21], $0x4000  }
0x1c3: {  	[sflag:s21] =	ssyncset.done $0x0  }
0x1c4: {  	s25 =	rddreg [dreg:$0x10];
	[sflag:s21] =	ssyncadd.s32 $0xFFFFC000  }
0x1c5: {  	[hbm4b:s25+s4] =	stream.linear.scatter [tilespmem:s11], [sflag:$0x7], $0x4000, $0x38;
	[tilespmem:$0x1A480] =	vst v63  }
0x1c6: {  	_ =	swait.ge [sflag:s26], $0x4000  }
0x1c7: {  	[sflag:s26] =	ssyncset.done $0x0  }
0x1c8: {  	s28 =	rddreg [dreg:$0x11];
	[sflag:s26] =	ssyncadd.s32 $0xFFFFC000  }
0x1c9: {  	[hbm4b:s28+s4] =	stream.linear.scatter [tilespmem:s30], [sflag:$0x8], $0x4000, $0x38;
	[tilespmem:$0x1A480] =	vst v63  }
0x1ca: {  	_ =	swait.ge [sflag:s31], $0x4000  }
0x1cb: {  	[sflag:s31] =	ssyncset.done $0x0  }
0x1cc: {  	s30 =	rddreg [dreg:$0x12];
	[sflag:s31] =	ssyncadd.s32 $0xFFFFC000  }
0x1cd: {  	[hbm4b:s30+s4] =	stream.linear.scatter [tilespmem:s6], [sflag:$0x9], $0x4000, $0x38;
	[tilespmem:$0x1A480] =	vst v63  }
0x1ce: {  	_ =	swait.ge [sflag:s14], $0x4000  }
0x1cf: {  	[sflag:s14] =	ssyncset.done $0x0  }
0x1d0: {  	s31 =	rddreg [dreg:$0x13];
	[sflag:s14] =	ssyncadd.s32 $0xFFFFC000  }
0x1d1: {  	[hbm4b:s31+s4] =	stream.linear.scatter [tilespmem:s19], [sflag:$0xA], $0x4000, $0x38;
	[tilespmem:$0x1A480] =	vst v63  }
0x1d2: {  	_ =	swait.ge [sflag:s22], $0x4000  }
0x1d3: {  	[sflag:s22] =	ssyncset.done $0x0  }
0x1d4: {  	[sflag:s22] =	ssyncadd.s32 $0xFFFFC000  }
0x1d5: {  	_ =	swait.ge [sflag:s29], $0x4000  }
0x1d6: {  	[sflag:s29] =	ssyncset.done $0x0  }
0x1d7: {  	[sflag:s29] =	ssyncadd.s32 $0xFFFFC000  }
0x1d8: {  	_ =	swait.ge [sflag:s10], $0x4000  }
0x1d9: {  	[sflag:s10] =	ssyncset.done $0x0  }
0x1da: {  	[sflag:s10] =	ssyncadd.s32 $0xFFFFC000  }
0x1db: {  	_ =	swait.ge [sflag:s15], $0x4000  }
0x1dc: {  	[sflag:s15] =	ssyncset.done $0x0  }
0x1dd: {  	[sflag:s15] =	ssyncadd.s32 $0xFFFFC000  }
0x1de: {  	_ =	swait.ge [sflag:s3], $0x4000  }
0x1df: {  	[sflag:s3] =	ssyncset.done $0x0  }
0x1e0: {  	[sflag:s3] =	ssyncadd.s32 $0xFFFFC000  }
0x1e1: {  	_ =	swait.ge [sflag:s0], $0x80  }
0x1e2: {  	[sflag:s0] =	ssyncset.done $0x0  }
0x1e3: {  	[sflag:s0] =	ssyncadd.s32 $0xFFFFFF80  }
0x1e4: {  	s5 =	simm.s32 $0x31;
	s25 =	simm.s32 $0x6400;
	_ =	swait.ge [sflag:s0], $0x80  }
0x1e5: {  	s11 =	simm.s32 $0xA400;
	s6 =	simm.s32 $0xE400;
	[sflag:s0] =	ssyncset.done $0x0  }
.LBB2_6:
0x1e6: {  	p0 =	sne.s32 s5, $0x1;
	s5 =	sadd.s32 $0xFFFFFFFF, s5;
	[sflag:s0] =	ssyncadd.s32 $0xFFFFFF80  }
.Ltmp2:
0x1e7: {  	_ =	swait.ge [sflag:s0], $0x80;
	(pc) =	sbr.rel @p0 .LBB2_6-.Ltmp2, $4  }
0x1e8: {  	[sflag:s0] =	ssyncset.done $0x0  }
0x1e9: {  	[sflag:s0] =	ssyncadd.s32 $0xFFFFFF80  }
0x1ea: {  	_ =	swait.ge [sflag:s0], $0x80  }
0x1eb: {  	[sflag:s0] =	ssyncset.done $0x0  }
0x1ec: {  	[sflag:s0] =	ssyncadd.s32 $0xFFFFFF80;
	s12 =	simm.s32 $0x0;
	s5 =	simm.s32 $0x40  }
0x1ed: {  	s14 =	simm.s32 $0x6C00;
	s18 =	simm.s32 $0x7400;
	s29 =	simm.s32 $0xAC00  }
0x1ee: {  	s22 =	simm.s32 $0xB400;
	s26 =	simm.s32 $0xBC00;
	s31 =	simm.s32 $0xC400  }
0x1ef: {  	s20 =	simm.s32 $0xCC00;
	s28 =	simm.s32 $0xD400;
	s15 =	simm.s32 $0xDC00;
	v4 =	vld [tilespmem:s12+$0x3200]  }
0x1f0: {  	v3 =	vimm.f32 $0.0e+00;
	s21 =	simm.s32 $0xEC00;
	s17 =	simm.s32 $0xF400;
	s19 =	simm.s32 $0xFC00;
	v5 =	vld [tilespmem:s12+$0x4B00]  }
.LBB2_8:
0x1f1: {  	_ = 	snop  }
0x1f2: {  	p0 =	sne.s32 s5, $0x63C0  }
.Ltmp3:
0x1f3: {  	_ = 	snop;
	(pc) =	sbr.rel @p0 .LBB2_8-.Ltmp3, $4  }
0x1f4: {  	_ = 	snop  }
0x1f5: {  	s12 =	sshra.s32 s5, $0x2;
	v6 =	vsub.f32 v4, v5  }
0x1f6: {  	v4 =	vld [tilespmem:s12+$0x3200]  }
0x1f7: {  	s5 =	sadd.s32 $0x40, s5;
	v5 =	vld [tilespmem:s12+$0x4B00];
	v3 =	vadd.f32 v6, v3  }
0x1f8: {  	_ =	sdelay $0x3  }
0x1f9: {  	v4 =	vsub.f32 v4, v5;
	_ =	sdelay $0x1  }
0x1fa: {  	v3 =	vadd.f32 v4, v3;
	_ =	sdelay $0x1  }
0x1fb: {  	s5 =	rddreg [dreg:$0x14];
	s10 =	simm.s32 $0x1A400;
	s12 =	simm.s32 $0xC;
	[tilespmem:$0x1A400] =	vst v3  }
0x1fc: {  	[hbm4b:s5+s4] =	stream.linear.scatter [tilespmem:s10], [sflag:$0xC], $0x10, $0x38;
	[tilespmem:$0x1A480] =	vst v63  }
0x1fd: {  	_ =	swait.ge [sflag:s12], $0x10  }
0x1fe: {  	s23 =	rddreg [dreg:$0x16]  }
0x1ff: {  	s30 =	rddreg [dreg:$0x15];
	s10 =	sadd.s32 $0x1, s23  }
0x200: {  	p0 =	sne.s32 s10, s30  }
.Ltmp4:
0x201: {  	_ = 	snop;
	(pc) =	sbr.rel @p0 .LBB2_1-.Ltmp4, $3  }
0x202: {  	_ =	sdelay $0x1  }
0x203: {  	[sflag:s12] =	ssyncset.done $0x0  }
0x204: {  	[sflag:s12] =	ssyncadd.s32 $0xFFFFFFF0  }
0x205: {  	_ =	sfence.sel $0x180000  }
0x206: {  	[bflag:$0x0] =	sbarrier.arrive $0xFFFF  }
0x207: {  	_ =	strace $0x90000047  }
0x208: {  	s0 =	stileid.u32;
	[bflag:$0x2] =	sbarrier.arrive $0xFFFF  }
0x209: {  	p0 =	sne.s32 s0, $0x0;
	s0 =	rddreg [dreg:$0x6]  }
0x20a: {  	s0 =	sadd.s32 @!p0 $0x100000, s0  }
0x20b: {  	[sflag:s0] =	ssyncadd.tile.s32 @!p0 $0x1;
	_ =	shalt  }
.Lfunc_end2:
_tile_overlayer_lowered:
.L_overlay_start_2:
0x20c: {  	(tag) =	ssettag $0x2  }
0x20d: {  	s0 =	rddreg [dreg:$0x0];
	s2 =	stileid.u32  }
0x20e: {  	s1 =	rddreg [dreg:$0x1];
	p0 =	sne.s32 s2, $0x0  }
0x20f: {  	s3 =	rddreg [dreg:$0x2];
	[bflag:$0x3] =	sbarrier.arrive $0xFFFF;
	s2 =	simm.s32 @!p0 $0x1C0C  }
0x210: {  	[timem:s3], [sflag:s2] =	dma.local @!p0 [hbm:s0], s1  }
0x211: {  	s0 =	simm.s32 @!p0 $0xC  }
0x212: {  	_ =	swait.ge @!p0 [sflag:s0], s1  }
0x213: {  	s1 =	ssub.s32 @!p0 $0x0, s1;
	[sflag:s0] =	ssyncset.done @!p0 $0x0  }
0x214: {  	[sflag:s0] =	ssyncadd.s32 @!p0 s1  }
0x215: {  	[bflag:$0x3] =	sbarrier.arrive $0xFFFF  }
0x216: {  	_ =	shalt  }

</sc_bundles>
